<compile_context>
chip_gen: v7x
topology: tpu7x:2x2x1
jax: 0.10.2.dev20260603
libtpu: 0.0.44.dev20260713+nightly
codegen_flags: <defaults>
</compile_context>

<pallas_src>
import functools

import jax
import jax.numpy as jnp
from jax import lax
from jax.experimental import pallas as pl
from jax.experimental.pallas import tpu as pltpu
from jax.experimental.pallas import tpu_sc as plsc

H = 376
W = 376
HW = H * W
B = 4
BR = 64
PB = 24576
NB = (H + BR - 1) // BR
CODE = 8
QUAD = 4
LOC_WEIGHT = 2.0
FOCAL_ALPHA = 0.25

NW = 32
RANGE = 4480
FULL = (HW // 128) * 128
TAIL = HW - FULL

_L1P = (5.621959006663069e-07, 0.9999574870750698, -0.49920656854787626,
        0.3269731000139178, -0.22283625832784004, 0.13076503250360005,
        -0.05262485136716543, 0.010119082927575069)


def _log1p_poly(z):
    acc = jnp.float32(_L1P[7])
    for c in (_L1P[6], _L1P[5], _L1P[4], _L1P[3], _L1P[2], _L1P[1], _L1P[0]):
        acc = acc * z + jnp.float32(c)
    return acc


def _bce_sc_kernel(tf_hbm, sp_hbm, ql_hbm, out_hbm, tf_v, sp_v, ql_v,
                   tf_t, sp_t, ql_t, acc_v, sem):
    cid = lax.axis_index("c")
    sid = lax.axis_index("s")
    wid = sid * 2 + cid
    lo = wid * RANGE
    hi = jnp.minimum(lo + RANGE, FULL)
    base = pl.multiple_of(jnp.minimum(lo, FULL - RANGE), 128)

    cp_tf = pltpu.async_copy(tf_hbm.at[pl.ds(base, RANGE)], tf_v, sem)
    cp_sp = pltpu.async_copy(sp_hbm.at[:, pl.ds(base, RANGE)], sp_v, sem)
    cp_ql = [pltpu.async_copy(ql_hbm.at[b, :, pl.ds(base, RANGE)], ql_v.at[b], sem)
             for b in range(B)]
    cp_tf.wait()
    cp_sp.wait()
    for cp in cp_ql:
        cp.wait()

    def body(i, acc):
        o = i * 16
        pid = base + o + lax.iota(jnp.int32, 16)
        tfv = tf_v[pl.ds(o, 16)]
        mask = (tfv > 0.0) & (pid >= lo) & (pid < hi)
        for q in range(QUAD):
            x = sp_v[q, pl.ds(o, 16)]
            tsum = (ql_v[0, q, pl.ds(o, 16)] + ql_v[1, q, pl.ds(o, 16)]
                    + ql_v[2, q, pl.ds(o, 16)] + ql_v[3, q, pl.ds(o, 16)])
            z = jnp.exp(-jnp.abs(x))
            bce = jnp.maximum(x, 0.0) - x * tsum + _log1p_poly(z)
            acc = acc + jnp.where(mask, bce, jnp.float32(0.0))
        return acc

    acc = lax.fori_loop(0, RANGE // 16, body, jnp.zeros((16,), jnp.float32))
    acc_v[...] = acc

    @pl.when(wid == 0)
    def _tail():
        pltpu.sync_copy(tf_hbm.at[pl.ds(FULL, TAIL)], tf_t)
        pltpu.sync_copy(sp_hbm.at[:, pl.ds(FULL, TAIL)], sp_t)
        for b in range(B):
            pltpu.sync_copy(ql_hbm.at[b, :, pl.ds(FULL, TAIL)], ql_t.at[b])

        def tbody(i, acc):
            o = i * 16
            mask = tf_t[pl.ds(o, 16)] > 0.0
            for q in range(QUAD):
                x = sp_t[q, pl.ds(o, 16)]
                tsum = (ql_t[0, q, pl.ds(o, 16)] + ql_t[1, q, pl.ds(o, 16)]
                        + ql_t[2, q, pl.ds(o, 16)] + ql_t[3, q, pl.ds(o, 16)])
                z = jnp.exp(-jnp.abs(x))
                bce = jnp.maximum(x, 0.0) - x * tsum + _log1p_poly(z)
                acc = acc + jnp.where(mask, bce, jnp.float32(0.0))
            return acc

        acc_v[...] = lax.fori_loop(0, TAIL // 16, tbody, acc_v[...])

    pltpu.sync_copy(acc_v, out_hbm.at[wid])


def _tc_kernel(t_ref, cls_ref, tf_ref, bp_ref, hbl_ref, out_ref):
    s = pl.program_id(0)

    @pl.when(s == 0)
    def _init():
        for i in range(4):
            out_ref[i] = 0.0

    t = t_ref[...]
    rowok = (lax.broadcasted_iota(jnp.int32, (BR, W), 0) + s * BR) < H
    pos = (t > 0.0) & rowok
    m = pos | ((t == 0.0) & rowok)

    m_cnt = jnp.sum(m.astype(jnp.float32))
    n_pos = jnp.sum(pos.astype(jnp.float32))

    x = cls_ref[...]
    tb = t[None, :, :]
    z = jnp.exp(-jnp.abs(x))
    p = jnp.where(x >= 0.0, 1.0 / (1.0 + z), z / (1.0 + z))
    ce = jnp.maximum(x, 0.0) - x * tb + jnp.log(1.0 + z)
    p_t = p * tb + (1.0 - p) * (1.0 - tb)
    alpha_t = FOCAL_ALPHA * tb + (1.0 - FOCAL_ALPHA) * (1.0 - tb)
    om = 1.0 - p_t
    focal = alpha_t * om * om * ce
    s_focal = jnp.sum(jnp.where(m[None, :, :], focal, 0.0))

    tf = tf_ref[...]
    inb = (lax.iota(jnp.int32, PB) + s * PB) < HW
    mflat = ((tf > 0.0) & inb)[None, :]

    hbl = hbl_ref[...]
    hbls = hbl[0] + hbl[1] + hbl[2] + hbl[3]
    diff = bp_ref[...] - hbls
    ad = jnp.abs(diff)
    sl1 = jnp.where(ad < 1.0, 0.5 * diff * diff, ad - 0.5)
    s_sl1 = jnp.sum(jnp.where(mflat, sl1, 0.0))

    out_ref[0] += s_focal
    out_ref[1] += m_cnt
    out_ref[2] += n_pos
    out_ref[3] += s_sl1


def kernel(cls_preds, box_preds, spa_preds, heatmaps, hos_box_labels, quadrant_labels):
    t2 = heatmaps[0, 0]
    tflat = t2.reshape(HW)
    cls3 = cls_preds.reshape(B, H, W)
    bpT = box_preds.T
    hblT = jnp.transpose(hos_box_labels, (0, 1, 3, 2)).reshape(B, CODE, HW)
    spT = spa_preds.T
    qlT = jnp.transpose(quadrant_labels, (0, 1, 3, 2)).reshape(B, QUAD, HW)

    mesh = plsc.VectorSubcoreMesh(core_axis_name="c", subcore_axis_name="s")
    sc_bce = functools.partial(
        pl.kernel,
        out_type=jax.ShapeDtypeStruct((NW, 16), jnp.float32),
        mesh=mesh,
        scratch_types=[
            pltpu.VMEM((RANGE,), jnp.float32),
            pltpu.VMEM((QUAD, RANGE), jnp.float32),
            pltpu.VMEM((B, QUAD, RANGE), jnp.float32),
            pltpu.VMEM((TAIL,), jnp.float32),
            pltpu.VMEM((QUAD, TAIL), jnp.float32),
            pltpu.VMEM((B, QUAD, TAIL), jnp.float32),
            pltpu.VMEM((16,), jnp.float32),
            pltpu.SemaphoreType.DMA,
        ],
    )(_bce_sc_kernel)
    bce_parts = sc_bce(tflat, spT, qlT)

    tc = pl.pallas_call(
        _tc_kernel,
        grid=(NB,),
        in_specs=[
            pl.BlockSpec((BR, W), lambda s: (s, 0)),
            pl.BlockSpec((B, BR, W), lambda s: (0, s, 0)),
            pl.BlockSpec((PB,), lambda s: (s,)),
            pl.BlockSpec((CODE, PB), lambda s: (0, s)),
            pl.BlockSpec((B, CODE, PB), lambda s: (0, 0, s)),
        ],
        out_specs=pl.BlockSpec(memory_space=pltpu.SMEM),
        out_shape=jax.ShapeDtypeStruct((4,), jnp.float32),
    )(t2, cls3, tflat, bpT, hblT)

    n_pos = tc[2]
    cls_loss = tc[0] / jnp.maximum(tc[1], 1.0)
    reg_loss = tc[3] / jnp.maximum(n_pos, 1.0) * LOC_WEIGHT
    spa_loss = jnp.sum(bce_parts) / jnp.maximum(n_pos * QUAD, 1.0)
    return cls_loss + reg_loss + spa_loss

# --- scband reference (transcript-rebuilt; emitter-appended) ---
"""Pipeline reference for scband-hoshead-template-63711544869063 (READ-ONLY COPY).

The authoritative reference and input builder live on the scoring server;
editing this copy changes nothing except your own understanding.
"""

import jax, jax.numpy as jnp
import numpy as np

H = 376
W = 376
HW = H * W
B = 4
NUM_HEADS = 1
CODE_SIZE = 8
QUAD = 4
LOC_WEIGHT = 2.0
FOCAL_ALPHA = 0.25
FOCAL_GAMMA = 2.0


def _bce_with_logits(pred, target):
    # numerically-stable binary cross entropy with logits, elementwise
    return jnp.maximum(pred, 0.0) - pred * target + jnp.log1p(jnp.exp(-jnp.abs(pred)))


def _binary_focal_cls_loss(pred, target, weights):
    # BinaryFocalClassificationLoss: sigmoid focal, elementwise, weighted
    p = jax.nn.sigmoid(pred)
    ce = _bce_with_logits(pred, target)
    p_t = p * target + (1.0 - p) * (1.0 - target)
    alpha_t = FOCAL_ALPHA * target + (1.0 - FOCAL_ALPHA) * (1.0 - target)
    return alpha_t * jnp.power(1.0 - p_t, FOCAL_GAMMA) * ce * weights


def _smooth_l1(pred, target):
    diff = pred - target
    ad = jnp.abs(diff)
    return jnp.where(ad < 1.0, 0.5 * diff * diff, ad - 0.5)


def setup_inputs(seed: int = 0) -> dict:
    key = jax.random.key(seed)
    ks = jax.random.split(key, 6)
    cls_preds = jax.random.normal(ks[0], (B, H, W, NUM_HEADS), dtype=jnp.float32)
    box_preds = jax.random.normal(ks[1], (HW, CODE_SIZE), dtype=jnp.float32)
    spa_preds = jax.random.normal(ks[2], (HW, QUAD), dtype=jnp.float32)
    hm_raw = jax.random.uniform(ks[3], (NUM_HEADS, B, H, W), dtype=jnp.float32)
    # sparse gaussian-style heatmap: ~5% positive pixels, rest exactly zero
    heatmaps = jnp.where(hm_raw > 0.95, hm_raw, 0.0)
    hos_box_labels = jax.random.normal(ks[4], (NUM_HEADS, B, HW, CODE_SIZE), dtype=jnp.float32)
    quadrant_labels = (jax.random.uniform(ks[5], (NUM_HEADS, B, HW, QUAD), dtype=jnp.float32) > 0.5).astype(jnp.float32)
    return {
        'cls_preds': cls_preds,
        'box_preds': box_preds,
        'spa_preds': spa_preds,
        'heatmaps': heatmaps,
        'hos_box_labels': hos_box_labels,
        'quadrant_labels': quadrant_labels,
    }


def reference(cls_preds, box_preds, spa_preds, heatmaps, hos_box_labels, quadrant_labels):
    # Faithful jax translation of HOSHeadTemplate.get_loss (single detection head).
    code_size = box_preds.shape[-1]
    quadrant_size = spa_preds.shape[-1]

    cls_p = jnp.transpose(cls_preds, (3, 0, 1, 2))          # [num_heads, B, H, W]
    hm = jnp.transpose(heatmaps, (1, 0, 2, 3))              # [B, num_heads, H, W]
    hbl = jnp.transpose(hos_box_labels, (1, 0, 2, 3)).sum(axis=0).reshape(-1, code_size)   # [HW, code]
    bp = box_preds.reshape(-1, code_size)
    ql = jnp.transpose(quadrant_labels, (1, 0, 2, 3)).sum(axis=0).reshape(-1, quadrant_size)
    sp = spa_preds.reshape(-1, quadrant_size)

    cls_loss = jnp.zeros((), dtype=jnp.float32)
    positives = None
    for idx in range(NUM_HEADS):
        targets = hm[idx]                                   # [num_heads, H, W]
        positives = targets > 0
        negatives = targets == 0
        cls_weights = (positives | negatives).astype(jnp.float32)
        pos_normalizer = cls_weights.sum()
        cls_weights = cls_weights / jnp.maximum(pos_normalizer, 1.0)
        hm_loss = _binary_focal_cls_loss(cls_p[idx], targets, cls_weights)
        cls_loss = cls_loss + hm_loss.sum()

    reg_mask = positives.reshape(-1).astype(jnp.float32)    # [HW]
    reg_normalizer = positives.sum().astype(jnp.float32)
    reg_weights = jnp.ones_like(bp) / jnp.maximum(reg_normalizer, 1.0)

    # HOSSmoothL1Loss over positive hotspots (multiplicative mask == boolean gather + sum)
    reg_loss = (_smooth_l1(bp, hbl) * reg_weights * reg_mask[:, None]).sum() * LOC_WEIGHT

    # HOSBCELoss: mean BCE-with-logits over positive hotspot rows
    bce = _bce_with_logits(sp, ql)
    denom = jnp.maximum(reg_mask.sum() * quadrant_size, 1.0)
    spa_loss = (bce * reg_mask[:, None]).sum() / denom

    loss = cls_loss + reg_loss + spa_loss
    return loss

if __name__ == "__main__":
    import jax
    _d = setup_inputs()
    print(jax.jit(kernel)(*tuple(_d.values())))

</pallas_src>

<mosaic_0001>
#map = affine_map<(d0, d1) -> (0)>
#map1 = affine_map<(d0, d1) -> (0, 0)>
#map2 = affine_map<(d0, d1) -> (0, 0, 0)>
module attributes {stable_mosaic.version = 14 : i64} {
  func.func @_bce_sc_kernel(%arg0: i32, %arg1: i32, %arg2: memref<141376xf32, #tpu.memory_space<hbm>>, %arg3: memref<4x141376xf32, #tpu.memory_space<hbm>>, %arg4: memref<4x4x141376xf32, #tpu.memory_space<hbm>>, %arg5: memref<32x16xf32, #tpu.memory_space<hbm>>, %arg6: memref<4480xf32, #tpu.memory_space<vmem>>, %arg7: memref<4x4480xf32, #tpu.memory_space<vmem>>, %arg8: memref<4x4x4480xf32, #tpu.memory_space<vmem>>, %arg9: memref<64xf32, #tpu.memory_space<vmem>>, %arg10: memref<4x64xf32, #tpu.memory_space<vmem>>, %arg11: memref<4x4x64xf32, #tpu.memory_space<vmem>>, %arg12: memref<16xf32, #tpu.memory_space<vmem>>, %arg13: memref<!tpu.dma_semaphore, #tpu.memory_space<semaphore_mem>>) attributes {dimension_semantics = [#tpu.dimension_semantics<core_parallel>, #tpu.dimension_semantics<subcore_parallel>], iteration_bounds = array<i64: 2, 16>, scalar_prefetch = 0 : i64, scratch_operands = 8 : i64, tpu.core_type = #tpu.core_type<sc_vector_subcore>, window_params = [{transform_indices = #map}, {transform_indices = #map1}, {transform_indices = #map2}, {transform_indices = #map1}]} {
    %mul3A = arith.constant 2 : i32
    %mul3A_0 = arith.muli %arg1, %mul3A : i32
    %add3A = arith.addi %mul3A_0, %arg0 : i32
    %mul3A_1 = arith.constant 4480 : i32
    %mul3A_2 = arith.muli %add3A, %mul3A_1 : i32
    %add3A_3 = arith.constant 4480 : i32
    %add3A_4 = arith.addi %mul3A_2, %add3A_3 : i32
    %min3A = arith.constant 141312 : i32
    %min3A_5 = arith.minsi %add3A_4, %min3A : i32
    %min3A_6 = arith.constant 136832 : i32
    %min3A_7 = arith.minsi %mul3A_2, %min3A_6 : i32
    %multiple_of3A = tpu.assume_multiple %min3A_7, 128 : i32
    %dma_start3A = tpu.memref_slice %arg2[%multiple_of3A] : memref<141376xf32, #tpu.memory_space<hbm>> -> memref<4480xf32, #tpu.memory_space<hbm>>
    %dma_start3A_8 = tpu.memref_slice %arg2[%multiple_of3A] : memref<141376xf32, #tpu.memory_space<hbm>> -> memref<4480xf32, #tpu.memory_space<hbm>>
    tpu.enqueue_dma source(%dma_start3A_8 : memref<4480xf32, #tpu.memory_space<hbm>>) target(%arg6 : memref<4480xf32, #tpu.memory_space<vmem>>) target_semaphore(%arg13 : memref<!tpu.dma_semaphore, #tpu.memory_space<semaphore_mem>>)
    %dma_start3A_9 = arith.constant 0 : i32
    %dma_start3A_10 = tpu.memref_slice %arg3[%dma_start3A_9, %multiple_of3A] : memref<4x141376xf32, #tpu.memory_space<hbm>> -> memref<4x4480xf32, #tpu.memory_space<hbm>>
    %dma_start3A_11 = arith.constant 0 : i32
    %dma_start3A_12 = tpu.memref_slice %arg3[%dma_start3A_11, %multiple_of3A] : memref<4x141376xf32, #tpu.memory_space<hbm>> -> memref<4x4480xf32, #tpu.memory_space<hbm>>
    tpu.enqueue_dma source(%dma_start3A_12 : memref<4x4480xf32, #tpu.memory_space<hbm>>) target(%arg7 : memref<4x4480xf32, #tpu.memory_space<vmem>>) target_semaphore(%arg13 : memref<!tpu.dma_semaphore, #tpu.memory_space<semaphore_mem>>)
    %dma_start3A_13 = arith.constant 0 : i32
    %dma_start3A_14 = arith.constant 0 : i32
    %dma_start3A_15 = arith.constant 0 : i32
    %dma_start3A_16 = arith.constant 0 : i32
    %dma_start3A_17 = tpu.memref_slice %arg8[%dma_start3A_14, %dma_start3A_15, %dma_start3A_16] : memref<4x4x4480xf32, #tpu.memory_space<vmem>> -> memref<1x4x4480xf32, #tpu.memory_space<vmem>>
    %dma_start3A_18 = tpu.memref_squeeze %dma_start3A_17 : memref<1x4x4480xf32, #tpu.memory_space<vmem>> -> memref<4x4480xf32, #tpu.memory_space<vmem>>
    %dma_start3A_19 = arith.constant 0 : i32
    %dma_start3A_20 = tpu.memref_slice %arg4[%dma_start3A_13, %dma_start3A_19, %multiple_of3A] : memref<4x4x141376xf32, #tpu.memory_space<hbm>> -> memref<1x4x4480xf32, #tpu.memory_space<hbm>>
    %dma_start3A_21 = tpu.memref_squeeze %dma_start3A_20 : memref<1x4x4480xf32, #tpu.memory_space<hbm>> -> memref<4x4480xf32, #tpu.memory_space<hbm>>
    %dma_start3A_22 = arith.constant 0 : i32
    %dma_start3A_23 = arith.constant 0 : i32
    %dma_start3A_24 = tpu.memref_slice %arg8[%dma_start3A_14, %dma_start3A_22, %dma_start3A_23] : memref<4x4x4480xf32, #tpu.memory_space<vmem>> -> memref<1x4x4480xf32, #tpu.memory_space<vmem>>
    %dma_start3A_25 = tpu.memref_squeeze %dma_start3A_24 : memref<1x4x4480xf32, #tpu.memory_space<vmem>> -> memref<4x4480xf32, #tpu.memory_space<vmem>>
    %dma_start3A_26 = arith.constant 0 : i32
    %dma_start3A_27 = tpu.memref_slice %arg4[%dma_start3A_13, %dma_start3A_26, %multiple_of3A] : memref<4x4x141376xf32, #tpu.memory_space<hbm>> -> memref<1x4x4480xf32, #tpu.memory_space<hbm>>
    %dma_start3A_28 = tpu.memref_squeeze %dma_start3A_27 : memref<1x4x4480xf32, #tpu.memory_space<hbm>> -> memref<4x4480xf32, #tpu.memory_space<hbm>>
    tpu.enqueue_dma source(%dma_start3A_28 : memref<4x4480xf32, #tpu.memory_space<hbm>>) target(%dma_start3A_25 : memref<4x4480xf32, #tpu.memory_space<vmem>>) target_semaphore(%arg13 : memref<!tpu.dma_semaphore, #tpu.memory_space<semaphore_mem>>)
    %dma_start3A_29 = arith.constant 1 : i32
    %dma_start3A_30 = arith.constant 1 : i32
    %dma_start3A_31 = arith.constant 0 : i32
    %dma_start3A_32 = arith.constant 0 : i32
    %dma_start3A_33 = tpu.memref_slice %arg8[%dma_start3A_30, %dma_start3A_31, %dma_start3A_32] : memref<4x4x4480xf32, #tpu.memory_space<vmem>> -> memref<1x4x4480xf32, #tpu.memory_space<vmem>>
    %dma_start3A_34 = tpu.memref_squeeze %dma_start3A_33 : memref<1x4x4480xf32, #tpu.memory_space<vmem>> -> memref<4x4480xf32, #tpu.memory_space<vmem>>
    %dma_start3A_35 = arith.constant 0 : i32
    %dma_start3A_36 = tpu.memref_slice %arg4[%dma_start3A_29, %dma_start3A_35, %multiple_of3A] : memref<4x4x141376xf32, #tpu.memory_space<hbm>> -> memref<1x4x4480xf32, #tpu.memory_space<hbm>>
    %dma_start3A_37 = tpu.memref_squeeze %dma_start3A_36 : memref<1x4x4480xf32, #tpu.memory_space<hbm>> -> memref<4x4480xf32, #tpu.memory_space<hbm>>
    %dma_start3A_38 = arith.constant 0 : i32
    %dma_start3A_39 = arith.constant 0 : i32
    %dma_start3A_40 = tpu.memref_slice %arg8[%dma_start3A_30, %dma_start3A_38, %dma_start3A_39] : memref<4x4x4480xf32, #tpu.memory_space<vmem>> -> memref<1x4x4480xf32, #tpu.memory_space<vmem>>
    %dma_start3A_41 = tpu.memref_squeeze %dma_start3A_40 : memref<1x4x4480xf32, #tpu.memory_space<vmem>> -> memref<4x4480xf32, #tpu.memory_space<vmem>>
    %dma_start3A_42 = arith.constant 0 : i32
    %dma_start3A_43 = tpu.memref_slice %arg4[%dma_start3A_29, %dma_start3A_42, %multiple_of3A] : memref<4x4x141376xf32, #tpu.memory_space<hbm>> -> memref<1x4x4480xf32, #tpu.memory_space<hbm>>
    %dma_start3A_44 = tpu.memref_squeeze %dma_start3A_43 : memref<1x4x4480xf32, #tpu.memory_space<hbm>> -> memref<4x4480xf32, #tpu.memory_space<hbm>>
    tpu.enqueue_dma source(%dma_start3A_44 : memref<4x4480xf32, #tpu.memory_space<hbm>>) target(%dma_start3A_41 : memref<4x4480xf32, #tpu.memory_space<vmem>>) target_semaphore(%arg13 : memref<!tpu.dma_semaphore, #tpu.memory_space<semaphore_mem>>)
    %dma_start3A_45 = arith.constant 2 : i32
    %dma_start3A_46 = arith.constant 2 : i32
    %dma_start3A_47 = arith.constant 0 : i32
    %dma_start3A_48 = arith.constant 0 : i32
    %dma_start3A_49 = tpu.memref_slice %arg8[%dma_start3A_46, %dma_start3A_47, %dma_start3A_48] : memref<4x4x4480xf32, #tpu.memory_space<vmem>> -> memref<1x4x4480xf32, #tpu.memory_space<vmem>>
    %dma_start3A_50 = tpu.memref_squeeze %dma_start3A_49 : memref<1x4x4480xf32, #tpu.memory_space<vmem>> -> memref<4x4480xf32, #tpu.memory_space<vmem>>
    %dma_start3A_51 = arith.constant 0 : i32
    %dma_start3A_52 = tpu.memref_slice %arg4[%dma_start3A_45, %dma_start3A_51, %multiple_of3A] : memref<4x4x141376xf32, #tpu.memory_space<hbm>> -> memref<1x4x4480xf32, #tpu.memory_space<hbm>>
    %dma_start3A_53 = tpu.memref_squeeze %dma_start3A_52 : memref<1x4x4480xf32, #tpu.memory_space<hbm>> -> memref<4x4480xf32, #tpu.memory_space<hbm>>
    %dma_start3A_54 = arith.constant 0 : i32
    %dma_start3A_55 = arith.constant 0 : i32
    %dma_start3A_56 = tpu.memref_slice %arg8[%dma_start3A_46, %dma_start3A_54, %dma_start3A_55] : memref<4x4x4480xf32, #tpu.memory_space<vmem>> -> memref<1x4x4480xf32, #tpu.memory_space<vmem>>
    %dma_start3A_57 = tpu.memref_squeeze %dma_start3A_56 : memref<1x4x4480xf32, #tpu.memory_space<vmem>> -> memref<4x4480xf32, #tpu.memory_space<vmem>>
    %dma_start3A_58 = arith.constant 0 : i32
    %dma_start3A_59 = tpu.memref_slice %arg4[%dma_start3A_45, %dma_start3A_58, %multiple_of3A] : memref<4x4x141376xf32, #tpu.memory_space<hbm>> -> memref<1x4x4480xf32, #tpu.memory_space<hbm>>
    %dma_start3A_60 = tpu.memref_squeeze %dma_start3A_59 : memref<1x4x4480xf32, #tpu.memory_space<hbm>> -> memref<4x4480xf32, #tpu.memory_space<hbm>>
    tpu.enqueue_dma source(%dma_start3A_60 : memref<4x4480xf32, #tpu.memory_space<hbm>>) target(%dma_start3A_57 : memref<4x4480xf32, #tpu.memory_space<vmem>>) target_semaphore(%arg13 : memref<!tpu.dma_semaphore, #tpu.memory_space<semaphore_mem>>)
    %dma_start3A_61 = arith.constant 3 : i32
    %dma_start3A_62 = arith.constant 3 : i32
    %dma_start3A_63 = arith.constant 0 : i32
    %dma_start3A_64 = arith.constant 0 : i32
    %dma_start3A_65 = tpu.memref_slice %arg8[%dma_start3A_62, %dma_start3A_63, %dma_start3A_64] : memref<4x4x4480xf32, #tpu.memory_space<vmem>> -> memref<1x4x4480xf32, #tpu.memory_space<vmem>>
    %dma_start3A_66 = tpu.memref_squeeze %dma_start3A_65 : memref<1x4x4480xf32, #tpu.memory_space<vmem>> -> memref<4x4480xf32, #tpu.memory_space<vmem>>
    %dma_start3A_67 = arith.constant 0 : i32
    %dma_start3A_68 = tpu.memref_slice %arg4[%dma_start3A_61, %dma_start3A_67, %multiple_of3A] : memref<4x4x141376xf32, #tpu.memory_space<hbm>> -> memref<1x4x4480xf32, #tpu.memory_space<hbm>>
    %dma_start3A_69 = tpu.memref_squeeze %dma_start3A_68 : memref<1x4x4480xf32, #tpu.memory_space<hbm>> -> memref<4x4480xf32, #tpu.memory_space<hbm>>
    %dma_start3A_70 = arith.constant 0 : i32
    %dma_start3A_71 = arith.constant 0 : i32
    %dma_start3A_72 = tpu.memref_slice %arg8[%dma_start3A_62, %dma_start3A_70, %dma_start3A_71] : memref<4x4x4480xf32, #tpu.memory_space<vmem>> -> memref<1x4x4480xf32, #tpu.memory_space<vmem>>
    %dma_start3A_73 = tpu.memref_squeeze %dma_start3A_72 : memref<1x4x4480xf32, #tpu.memory_space<vmem>> -> memref<4x4480xf32, #tpu.memory_space<vmem>>
    %dma_start3A_74 = arith.constant 0 : i32
    %dma_start3A_75 = tpu.memref_slice %arg4[%dma_start3A_61, %dma_start3A_74, %multiple_of3A] : memref<4x4x141376xf32, #tpu.memory_space<hbm>> -> memref<1x4x4480xf32, #tpu.memory_space<hbm>>
    %dma_start3A_76 = tpu.memref_squeeze %dma_start3A_75 : memref<1x4x4480xf32, #tpu.memory_space<hbm>> -> memref<4x4480xf32, #tpu.memory_space<hbm>>
    tpu.enqueue_dma source(%dma_start3A_76 : memref<4x4480xf32, #tpu.memory_space<hbm>>) target(%dma_start3A_73 : memref<4x4480xf32, #tpu.memory_space<vmem>>) target_semaphore(%arg13 : memref<!tpu.dma_semaphore, #tpu.memory_space<semaphore_mem>>)
    %dma_wait3A = tpu.memref_slice %arg2[%multiple_of3A] : memref<141376xf32, #tpu.memory_space<hbm>> -> memref<4480xf32, #tpu.memory_space<hbm>>
    %dma_wait3A_77 = tpu.memref_slice %arg2[%multiple_of3A] : memref<141376xf32, #tpu.memory_space<hbm>> -> memref<4480xf32, #tpu.memory_space<hbm>>
    tpu.wait_dma2 semaphore(%arg13 : memref<!tpu.dma_semaphore, #tpu.memory_space<semaphore_mem>>) src(%dma_wait3A_77 : memref<4480xf32, #tpu.memory_space<hbm>>) dst(%arg6 : memref<4480xf32, #tpu.memory_space<vmem>>)
    %dma_wait3A_78 = arith.constant 0 : i32
    %dma_wait3A_79 = tpu.memref_slice %arg3[%dma_wait3A_78, %multiple_of3A] : memref<4x141376xf32, #tpu.memory_space<hbm>> -> memref<4x4480xf32, #tpu.memory_space<hbm>>
    %dma_wait3A_80 = arith.constant 0 : i32
    %dma_wait3A_81 = tpu.memref_slice %arg3[%dma_wait3A_80, %multiple_of3A] : memref<4x141376xf32, #tpu.memory_space<hbm>> -> memref<4x4480xf32, #tpu.memory_space<hbm>>
    tpu.wait_dma2 semaphore(%arg13 : memref<!tpu.dma_semaphore, #tpu.memory_space<semaphore_mem>>) src(%dma_wait3A_81 : memref<4x4480xf32, #tpu.memory_space<hbm>>) dst(%arg7 : memref<4x4480xf32, #tpu.memory_space<vmem>>)
    %dma_wait3A_82 = arith.constant 0 : i32
    %dma_wait3A_83 = arith.constant 0 : i32
    %dma_wait3A_84 = arith.constant 0 : i32
    %dma_wait3A_85 = arith.constant 0 : i32
    %dma_wait3A_86 = tpu.memref_slice %arg8[%dma_wait3A_83, %dma_wait3A_84, %dma_wait3A_85] : memref<4x4x4480xf32, #tpu.memory_space<vmem>> -> memref<1x4x4480xf32, #tpu.memory_space<vmem>>
    %dma_wait3A_87 = tpu.memref_squeeze %dma_wait3A_86 : memref<1x4x4480xf32, #tpu.memory_space<vmem>> -> memref<4x4480xf32, #tpu.memory_space<vmem>>
    %dma_wait3A_88 = arith.constant 0 : i32
    %dma_wait3A_89 = tpu.memref_slice %arg4[%dma_wait3A_82, %dma_wait3A_88, %multiple_of3A] : memref<4x4x141376xf32, #tpu.memory_space<hbm>> -> memref<1x4x4480xf32, #tpu.memory_space<hbm>>
    %dma_wait3A_90 = tpu.memref_squeeze %dma_wait3A_89 : memref<1x4x4480xf32, #tpu.memory_space<hbm>> -> memref<4x4480xf32, #tpu.memory_space<hbm>>
    %dma_wait3A_91 = arith.constant 0 : i32
    %dma_wait3A_92 = arith.constant 0 : i32
    %dma_wait3A_93 = tpu.memref_slice %arg8[%dma_wait3A_83, %dma_wait3A_91, %dma_wait3A_92] : memref<4x4x4480xf32, #tpu.memory_space<vmem>> -> memref<1x4x4480xf32, #tpu.memory_space<vmem>>
    %dma_wait3A_94 = tpu.memref_squeeze %dma_wait3A_93 : memref<1x4x4480xf32, #tpu.memory_space<vmem>> -> memref<4x4480xf32, #tpu.memory_space<vmem>>
    %dma_wait3A_95 = arith.constant 0 : i32
    %dma_wait3A_96 = tpu.memref_slice %arg4[%dma_wait3A_82, %dma_wait3A_95, %multiple_of3A] : memref<4x4x141376xf32, #tpu.memory_space<hbm>> -> memref<1x4x4480xf32, #tpu.memory_space<hbm>>
    %dma_wait3A_97 = tpu.memref_squeeze %dma_wait3A_96 : memref<1x4x4480xf32, #tpu.memory_space<hbm>> -> memref<4x4480xf32, #tpu.memory_space<hbm>>
    tpu.wait_dma2 semaphore(%arg13 : memref<!tpu.dma_semaphore, #tpu.memory_space<semaphore_mem>>) src(%dma_wait3A_97 : memref<4x4480xf32, #tpu.memory_space<hbm>>) dst(%dma_wait3A_94 : memref<4x4480xf32, #tpu.memory_space<vmem>>)
    %dma_wait3A_98 = arith.constant 1 : i32
    %dma_wait3A_99 = arith.constant 1 : i32
    %dma_wait3A_100 = arith.constant 0 : i32
    %dma_wait3A_101 = arith.constant 0 : i32
    %dma_wait3A_102 = tpu.memref_slice %arg8[%dma_wait3A_99, %dma_wait3A_100, %dma_wait3A_101] : memref<4x4x4480xf32, #tpu.memory_space<vmem>> -> memref<1x4x4480xf32, #tpu.memory_space<vmem>>
    %dma_wait3A_103 = tpu.memref_squeeze %dma_wait3A_102 : memref<1x4x4480xf32, #tpu.memory_space<vmem>> -> memref<4x4480xf32, #tpu.memory_space<vmem>>
    %dma_wait3A_104 = arith.constant 0 : i32
    %dma_wait3A_105 = tpu.memref_slice %arg4[%dma_wait3A_98, %dma_wait3A_104, %multiple_of3A] : memref<4x4x141376xf32, #tpu.memory_space<hbm>> -> memref<1x4x4480xf32, #tpu.memory_space<hbm>>
    %dma_wait3A_106 = tpu.memref_squeeze %dma_wait3A_105 : memref<1x4x4480xf32, #tpu.memory_space<hbm>> -> memref<4x4480xf32, #tpu.memory_space<hbm>>
    %dma_wait3A_107 = arith.constant 0 : i32
    %dma_wait3A_108 = arith.constant 0 : i32
    %dma_wait3A_109 = tpu.memref_slice %arg8[%dma_wait3A_99, %dma_wait3A_107, %dma_wait3A_108] : memref<4x4x4480xf32, #tpu.memory_space<vmem>> -> memref<1x4x4480xf32, #tpu.memory_space<vmem>>
    %dma_wait3A_110 = tpu.memref_squeeze %dma_wait3A_109 : memref<1x4x4480xf32, #tpu.memory_space<vmem>> -> memref<4x4480xf32, #tpu.memory_space<vmem>>
    %dma_wait3A_111 = arith.constant 0 : i32
    %dma_wait3A_112 = tpu.memref_slice %arg4[%dma_wait3A_98, %dma_wait3A_111, %multiple_of3A] : memref<4x4x141376xf32, #tpu.memory_space<hbm>> -> memref<1x4x4480xf32, #tpu.memory_space<hbm>>
    %dma_wait3A_113 = tpu.memref_squeeze %dma_wait3A_112 : memref<1x4x4480xf32, #tpu.memory_space<hbm>> -> memref<4x4480xf32, #tpu.memory_space<hbm>>
    tpu.wait_dma2 semaphore(%arg13 : memref<!tpu.dma_semaphore, #tpu.memory_space<semaphore_mem>>) src(%dma_wait3A_113 : memref<4x4480xf32, #tpu.memory_space<hbm>>) dst(%dma_wait3A_110 : memref<4x4480xf32, #tpu.memory_space<vmem>>)
    %dma_wait3A_114 = arith.constant 2 : i32
    %dma_wait3A_115 = arith.constant 2 : i32
    %dma_wait3A_116 = arith.constant 0 : i32
    %dma_wait3A_117 = arith.constant 0 : i32
    %dma_wait3A_118 = tpu.memref_slice %arg8[%dma_wait3A_115, %dma_wait3A_116, %dma_wait3A_117] : memref<4x4x4480xf32, #tpu.memory_space<vmem>> -> memref<1x4x4480xf32, #tpu.memory_space<vmem>>
    %dma_wait3A_119 = tpu.memref_squeeze %dma_wait3A_118 : memref<1x4x4480xf32, #tpu.memory_space<vmem>> -> memref<4x4480xf32, #tpu.memory_space<vmem>>
    %dma_wait3A_120 = arith.constant 0 : i32
    %dma_wait3A_121 = tpu.memref_slice %arg4[%dma_wait3A_114, %dma_wait3A_120, %multiple_of3A] : memref<4x4x141376xf32, #tpu.memory_space<hbm>> -> memref<1x4x4480xf32, #tpu.memory_space<hbm>>
    %dma_wait3A_122 = tpu.memref_squeeze %dma_wait3A_121 : memref<1x4x4480xf32, #tpu.memory_space<hbm>> -> memref<4x4480xf32, #tpu.memory_space<hbm>>
    %dma_wait3A_123 = arith.constant 0 : i32
    %dma_wait3A_124 = arith.constant 0 : i32
    %dma_wait3A_125 = tpu.memref_slice %arg8[%dma_wait3A_115, %dma_wait3A_123, %dma_wait3A_124] : memref<4x4x4480xf32, #tpu.memory_space<vmem>> -> memref<1x4x4480xf32, #tpu.memory_space<vmem>>
    %dma_wait3A_126 = tpu.memref_squeeze %dma_wait3A_125 : memref<1x4x4480xf32, #tpu.memory_space<vmem>> -> memref<4x4480xf32, #tpu.memory_space<vmem>>
    %dma_wait3A_127 = arith.constant 0 : i32
    %dma_wait3A_128 = tpu.memref_slice %arg4[%dma_wait3A_114, %dma_wait3A_127, %multiple_of3A] : memref<4x4x141376xf32, #tpu.memory_space<hbm>> -> memref<1x4x4480xf32, #tpu.memory_space<hbm>>
    %dma_wait3A_129 = tpu.memref_squeeze %dma_wait3A_128 : memref<1x4x4480xf32, #tpu.memory_space<hbm>> -> memref<4x4480xf32, #tpu.memory_space<hbm>>
    tpu.wait_dma2 semaphore(%arg13 : memref<!tpu.dma_semaphore, #tpu.memory_space<semaphore_mem>>) src(%dma_wait3A_129 : memref<4x4480xf32, #tpu.memory_space<hbm>>) dst(%dma_wait3A_126 : memref<4x4480xf32, #tpu.memory_space<vmem>>)
    %dma_wait3A_130 = arith.constant 3 : i32
    %dma_wait3A_131 = arith.constant 3 : i32
    %dma_wait3A_132 = arith.constant 0 : i32
    %dma_wait3A_133 = arith.constant 0 : i32
    %dma_wait3A_134 = tpu.memref_slice %arg8[%dma_wait3A_131, %dma_wait3A_132, %dma_wait3A_133] : memref<4x4x4480xf32, #tpu.memory_space<vmem>> -> memref<1x4x4480xf32, #tpu.memory_space<vmem>>
    %dma_wait3A_135 = tpu.memref_squeeze %dma_wait3A_134 : memref<1x4x4480xf32, #tpu.memory_space<vmem>> -> memref<4x4480xf32, #tpu.memory_space<vmem>>
    %dma_wait3A_136 = arith.constant 0 : i32
    %dma_wait3A_137 = tpu.memref_slice %arg4[%dma_wait3A_130, %dma_wait3A_136, %multiple_of3A] : memref<4x4x141376xf32, #tpu.memory_space<hbm>> -> memref<1x4x4480xf32, #tpu.memory_space<hbm>>
    %dma_wait3A_138 = tpu.memref_squeeze %dma_wait3A_137 : memref<1x4x4480xf32, #tpu.memory_space<hbm>> -> memref<4x4480xf32, #tpu.memory_space<hbm>>
    %dma_wait3A_139 = arith.constant 0 : i32
    %dma_wait3A_140 = arith.constant 0 : i32
    %dma_wait3A_141 = tpu.memref_slice %arg8[%dma_wait3A_131, %dma_wait3A_139, %dma_wait3A_140] : memref<4x4x4480xf32, #tpu.memory_space<vmem>> -> memref<1x4x4480xf32, #tpu.memory_space<vmem>>
    %dma_wait3A_142 = tpu.memref_squeeze %dma_wait3A_141 : memref<1x4x4480xf32, #tpu.memory_space<vmem>> -> memref<4x4480xf32, #tpu.memory_space<vmem>>
    %dma_wait3A_143 = arith.constant 0 : i32
    %dma_wait3A_144 = tpu.memref_slice %arg4[%dma_wait3A_130, %dma_wait3A_143, %multiple_of3A] : memref<4x4x141376xf32, #tpu.memory_space<hbm>> -> memref<1x4x4480xf32, #tpu.memory_space<hbm>>
    %dma_wait3A_145 = tpu.memref_squeeze %dma_wait3A_144 : memref<1x4x4480xf32, #tpu.memory_space<hbm>> -> memref<4x4480xf32, #tpu.memory_space<hbm>>
    tpu.wait_dma2 semaphore(%arg13 : memref<!tpu.dma_semaphore, #tpu.memory_space<semaphore_mem>>) src(%dma_wait3A_145 : memref<4x4480xf32, #tpu.memory_space<hbm>>) dst(%dma_wait3A_142 : memref<4x4480xf32, #tpu.memory_space<vmem>>)
    %broadcast_in_dim3A = arith.constant 0.000000e+00 : f32
    %broadcast_in_dim3A_146 = vector.broadcast %broadcast_in_dim3A : f32 to vector<16xf32>
    %scan3A = arith.constant 0 : i32
    %scan3A_147 = arith.constant 280 : i32
    %scan3A_148 = arith.addi %scan3A, %scan3A_147 : i32
    %scan3A_149 = arith.constant 1 : i32
    %scan3A_150 = scf.for %scan3A_157 = %scan3A to %scan3A_148 step %scan3A_149 iter_args(%scan3A_158 = %broadcast_in_dim3A_146) -> (vector<16xf32>)  : i32 {
      %mul3A_159 = arith.constant 16 : i32
      %mul3A_160 = arith.muli %scan3A_157, %mul3A_159 : i32
      %add3A_161 = arith.addi %multiple_of3A, %mul3A_160 : i32
      %iota3A = tpu.iota {dimensions = array<i32: 0>} : vector<16xi32>
      %add3A_162 = vector.broadcast %add3A_161 : i32 to vector<16xi32>
      %add3A_163 = arith.addi %add3A_162, %iota3A : vector<16xi32>
      %get3A = arith.index_cast %mul3A_160 : i32 to index
      %get3A_164 = tpu.vector_load %arg6[%get3A] {strides = array<i32>} : memref<4480xf32, #tpu.memory_space<vmem>>, vector<16xf32>,
      %get3A_165 = vector.shape_cast %get3A_164 : vector<16xf32> to vector<16xf32>
      %gt3A = arith.constant 0.000000e+00 : f32
      %gt3A_166 = vector.broadcast %gt3A : f32 to vector<16xf32>
      %gt3A_167 = arith.cmpf ogt, %get3A_165, %gt3A_166 : vector<16xf32>
      %ge3A = vector.broadcast %mul3A_2 : i32 to vector<16xi32>
      %ge3A_168 = arith.cmpi sge, %add3A_163, %ge3A : vector<16xi32>
      %and3A = arith.andi %gt3A_167, %ge3A_168 : vector<16xi1>
      %lt3A = vector.broadcast %min3A_5 : i32 to vector<16xi32>
      %lt3A_169 = arith.cmpi slt, %add3A_163, %lt3A : vector<16xi32>
      %and3A_170 = arith.andi %and3A, %lt3A_169 : vector<16xi1>
      %get3A_171 = arith.constant 0 : i32
      %get3A_172 = arith.index_cast %get3A_171 : i32 to index
      %get3A_173 = arith.index_cast %mul3A_160 : i32 to index
      %get3A_174 = tpu.vector_load %arg7[%get3A_172, %get3A_173] {strides = array<i32>} : memref<4x4480xf32, #tpu.memory_space<vmem>>, vector<1x16xf32>,
      %get3A_175 = vector.shape_cast %get3A_174 : vector<1x16xf32> to vector<16xf32>
      %get3A_176 = arith.constant 0 : i32
      %get3A_177 = arith.constant 0 : i32
      %get3A_178 = arith.index_cast %get3A_176 : i32 to index
      %get3A_179 = arith.index_cast %get3A_177 : i32 to index
      %get3A_180 = arith.index_cast %mul3A_160 : i32 to index
      %get3A_181 = tpu.vector_load %arg8[%get3A_178, %get3A_179, %get3A_180] {strides = array<i32>} : memref<4x4x4480xf32, #tpu.memory_space<vmem>>, vector<1x1x16xf32>,
      %get3A_182 = vector.shape_cast %get3A_181 : vector<1x1x16xf32> to vector<16xf32>
      %get3A_183 = arith.constant 1 : i32
      %get3A_184 = arith.constant 0 : i32
      %get3A_185 = arith.index_cast %get3A_183 : i32 to index
      %get3A_186 = arith.index_cast %get3A_184 : i32 to index
      %get3A_187 = arith.index_cast %mul3A_160 : i32 to index
      %get3A_188 = tpu.vector_load %arg8[%get3A_185, %get3A_186, %get3A_187] {strides = array<i32>} : memref<4x4x4480xf32, #tpu.memory_space<vmem>>, vector<1x1x16xf32>,
      %get3A_189 = vector.shape_cast %get3A_188 : vector<1x1x16xf32> to vector<16xf32>
      %add3A_190 = arith.addf %get3A_182, %get3A_189 : vector<16xf32>
      %get3A_191 = arith.constant 2 : i32
      %get3A_192 = arith.constant 0 : i32
      %get3A_193 = arith.index_cast %get3A_191 : i32 to index
      %get3A_194 = arith.index_cast %get3A_192 : i32 to index
      %get3A_195 = arith.index_cast %mul3A_160 : i32 to index
      %get3A_196 = tpu.vector_load %arg8[%get3A_193, %get3A_194, %get3A_195] {strides = array<i32>} : memref<4x4x4480xf32, #tpu.memory_space<vmem>>, vector<1x1x16xf32>,
      %get3A_197 = vector.shape_cast %get3A_196 : vector<1x1x16xf32> to vector<16xf32>
      %add3A_198 = arith.addf %add3A_190, %get3A_197 : vector<16xf32>
      %get3A_199 = arith.constant 3 : i32
      %get3A_200 = arith.constant 0 : i32
      %get3A_201 = arith.index_cast %get3A_199 : i32 to index
      %get3A_202 = arith.index_cast %get3A_200 : i32 to index
      %get3A_203 = arith.index_cast %mul3A_160 : i32 to index
      %get3A_204 = tpu.vector_load %arg8[%get3A_201, %get3A_202, %get3A_203] {strides = array<i32>} : memref<4x4x4480xf32, #tpu.memory_space<vmem>>, vector<1x1x16xf32>,
      %get3A_205 = vector.shape_cast %get3A_204 : vector<1x1x16xf32> to vector<16xf32>
      %add3A_206 = arith.addf %add3A_198, %get3A_205 : vector<16xf32>
      %abs3A = math.absf %get3A_175 : vector<16xf32>
      %neg3A = arith.constant 0.000000e+00 : f32
      %neg3A_207 = vector.broadcast %neg3A : f32 to vector<16xf32>
      %neg3A_208 = arith.subf %neg3A_207, %abs3A : vector<16xf32>
      %exp3A = math.exp %neg3A_208 : vector<16xf32>
      %max3A = arith.constant 0.000000e+00 : f32
      %max3A_209 = vector.broadcast %max3A : f32 to vector<16xf32>
      %max3A_210 = arith.maximumf %get3A_175, %max3A_209 : vector<16xf32>
      %mul3A_211 = arith.mulf %get3A_175, %add3A_206 : vector<16xf32>
      %sub3A = arith.subf %max3A_210, %mul3A_211 : vector<16xf32>
      %mul3A_212 = arith.constant 0.0101190833 : f32
      %mul3A_213 = vector.broadcast %mul3A_212 : f32 to vector<16xf32>
      %mul3A_214 = arith.mulf %mul3A_213, %exp3A : vector<16xf32>
      %add3A_215 = arith.constant -0.0526248515 : f32
      %add3A_216 = vector.broadcast %add3A_215 : f32 to vector<16xf32>
      %add3A_217 = arith.addf %mul3A_214, %add3A_216 : vector<16xf32>
      %mul3A_218 = arith.mulf %add3A_217, %exp3A : vector<16xf32>
      %add3A_219 = arith.constant 0.130765036 : f32
      %add3A_220 = vector.broadcast %add3A_219 : f32 to vector<16xf32>
      %add3A_221 = arith.addf %mul3A_218, %add3A_220 : vector<16xf32>
      %mul3A_222 = arith.mulf %add3A_221, %exp3A : vector<16xf32>
      %add3A_223 = arith.constant -0.222836256 : f32
      %add3A_224 = vector.broadcast %add3A_223 : f32 to vector<16xf32>
      %add3A_225 = arith.addf %mul3A_222, %add3A_224 : vector<16xf32>
      %mul3A_226 = arith.mulf %add3A_225, %exp3A : vector<16xf32>
      %add3A_227 = arith.constant 0.32697311 : f32
      %add3A_228 = vector.broadcast %add3A_227 : f32 to vector<16xf32>
      %add3A_229 = arith.addf %mul3A_226, %add3A_228 : vector<16xf32>
      %mul3A_230 = arith.mulf %add3A_229, %exp3A : vector<16xf32>
      %add3A_231 = arith.constant -0.499206573 : f32
      %add3A_232 = vector.broadcast %add3A_231 : f32 to vector<16xf32>
      %add3A_233 = arith.addf %mul3A_230, %add3A_232 : vector<16xf32>
      %mul3A_234 = arith.mulf %add3A_233, %exp3A : vector<16xf32>
      %add3A_235 = arith.constant 0.999957501 : f32
      %add3A_236 = vector.broadcast %add3A_235 : f32 to vector<16xf32>
      %add3A_237 = arith.addf %mul3A_234, %add3A_236 : vector<16xf32>
      %mul3A_238 = arith.mulf %add3A_237, %exp3A : vector<16xf32>
      %add3A_239 = arith.constant 5.62195908E-7 : f32
      %add3A_240 = vector.broadcast %add3A_239 : f32 to vector<16xf32>
      %add3A_241 = arith.addf %mul3A_238, %add3A_240 : vector<16xf32>
      %add3A_242 = arith.addf %sub3A, %add3A_241 : vector<16xf32>
      %jit3A = arith.constant 0.000000e+00 : f32
      %broadcast_in_dim3A_243 = vector.broadcast %jit3A : f32 to vector<16xf32>
      %select_n3A = arith.select %and3A_170, %add3A_242, %broadcast_in_dim3A_243 : vector<16xi1>, vector<16xf32>
      %add3A_244 = arith.addf %scan3A_158, %select_n3A : vector<16xf32>
      %get3A_245 = arith.constant 1 : i32
      %get3A_246 = arith.index_cast %get3A_245 : i32 to index
      %get3A_247 = arith.index_cast %mul3A_160 : i32 to index
      %get3A_248 = tpu.vector_load %arg7[%get3A_246, %get3A_247] {strides = array<i32>} : memref<4x4480xf32, #tpu.memory_space<vmem>>, vector<1x16xf32>,
      %get3A_249 = vector.shape_cast %get3A_248 : vector<1x16xf32> to vector<16xf32>
      %get3A_250 = arith.constant 0 : i32
      %get3A_251 = arith.constant 1 : i32
      %get3A_252 = arith.index_cast %get3A_250 : i32 to index
      %get3A_253 = arith.index_cast %get3A_251 : i32 to index
      %get3A_254 = arith.index_cast %mul3A_160 : i32 to index
      %get3A_255 = tpu.vector_load %arg8[%get3A_252, %get3A_253, %get3A_254] {strides = array<i32>} : memref<4x4x4480xf32, #tpu.memory_space<vmem>>, vector<1x1x16xf32>,
      %get3A_256 = vector.shape_cast %get3A_255 : vector<1x1x16xf32> to vector<16xf32>
      %get3A_257 = arith.constant 1 : i32
      %get3A_258 = arith.constant 1 : i32
      %get3A_259 = arith.index_cast %get3A_257 : i32 to index
      %get3A_260 = arith.index_cast %get3A_258 : i32 to index
      %get3A_261 = arith.index_cast %mul3A_160 : i32 to index
      %get3A_262 = tpu.vector_load %arg8[%get3A_259, %get3A_260, %get3A_261] {strides = array<i32>} : memref<4x4x4480xf32, #tpu.memory_space<vmem>>, vector<1x1x16xf32>,
      %get3A_263 = vector.shape_cast %get3A_262 : vector<1x1x16xf32> to vector<16xf32>
      %add3A_264 = arith.addf %get3A_256, %get3A_263 : vector<16xf32>
      %get3A_265 = arith.constant 2 : i32
      %get3A_266 = arith.constant 1 : i32
      %get3A_267 = arith.index_cast %get3A_265 : i32 to index
      %get3A_268 = arith.index_cast %get3A_266 : i32 to index
      %get3A_269 = arith.index_cast %mul3A_160 : i32 to index
      %get3A_270 = tpu.vector_load %arg8[%get3A_267, %get3A_268, %get3A_269] {strides = array<i32>} : memref<4x4x4480xf32, #tpu.memory_space<vmem>>, vector<1x1x16xf32>,
      %get3A_271 = vector.shape_cast %get3A_270 : vector<1x1x16xf32> to vector<16xf32>
      %add3A_272 = arith.addf %add3A_264, %get3A_271 : vector<16xf32>
      %get3A_273 = arith.constant 3 : i32
      %get3A_274 = arith.constant 1 : i32
      %get3A_275 = arith.index_cast %get3A_273 : i32 to index
      %get3A_276 = arith.index_cast %get3A_274 : i32 to index
      %get3A_277 = arith.index_cast %mul3A_160 : i32 to index
      %get3A_278 = tpu.vector_load %arg8[%get3A_275, %get3A_276, %get3A_277] {strides = array<i32>} : memref<4x4x4480xf32, #tpu.memory_space<vmem>>, vector<1x1x16xf32>,
      %get3A_279 = vector.shape_cast %get3A_278 : vector<1x1x16xf32> to vector<16xf32>
      %add3A_280 = arith.addf %add3A_272, %get3A_279 : vector<16xf32>
      %abs3A_281 = math.absf %get3A_249 : vector<16xf32>
      %neg3A_282 = arith.constant 0.000000e+00 : f32
      %neg3A_283 = vector.broadcast %neg3A_282 : f32 to vector<16xf32>
      %neg3A_284 = arith.subf %neg3A_283, %abs3A_281 : vector<16xf32>
      %exp3A_285 = math.exp %neg3A_284 : vector<16xf32>
      %max3A_286 = arith.constant 0.000000e+00 : f32
      %max3A_287 = vector.broadcast %max3A_286 : f32 to vector<16xf32>
      %max3A_288 = arith.maximumf %get3A_249, %max3A_287 : vector<16xf32>
      %mul3A_289 = arith.mulf %get3A_249, %add3A_280 : vector<16xf32>
      %sub3A_290 = arith.subf %max3A_288, %mul3A_289 : vector<16xf32>
      %mul3A_291 = arith.constant 0.0101190833 : f32
      %mul3A_292 = vector.broadcast %mul3A_291 : f32 to vector<16xf32>
      %mul3A_293 = arith.mulf %mul3A_292, %exp3A_285 : vector<16xf32>
      %add3A_294 = arith.constant -0.0526248515 : f32
      %add3A_295 = vector.broadcast %add3A_294 : f32 to vector<16xf32>
      %add3A_296 = arith.addf %mul3A_293, %add3A_295 : vector<16xf32>
      %mul3A_297 = arith.mulf %add3A_296, %exp3A_285 : vector<16xf32>
      %add3A_298 = arith.constant 0.130765036 : f32
      %add3A_299 = vector.broadcast %add3A_298 : f32 to vector<16xf32>
      %add3A_300 = arith.addf %mul3A_297, %add3A_299 : vector<16xf32>
      %mul3A_301 = arith.mulf %add3A_300, %exp3A_285 : vector<16xf32>
      %add3A_302 = arith.constant -0.222836256 : f32
      %add3A_303 = vector.broadcast %add3A_302 : f32 to vector<16xf32>
      %add3A_304 = arith.addf %mul3A_301, %add3A_303 : vector<16xf32>
      %mul3A_305 = arith.mulf %add3A_304, %exp3A_285 : vector<16xf32>
      %add3A_306 = arith.constant 0.32697311 : f32
      %add3A_307 = vector.broadcast %add3A_306 : f32 to vector<16xf32>
      %add3A_308 = arith.addf %mul3A_305, %add3A_307 : vector<16xf32>
      %mul3A_309 = arith.mulf %add3A_308, %exp3A_285 : vector<16xf32>
      %add3A_310 = arith.constant -0.499206573 : f32
      %add3A_311 = vector.broadcast %add3A_310 : f32 to vector<16xf32>
      %add3A_312 = arith.addf %mul3A_309, %add3A_311 : vector<16xf32>
      %mul3A_313 = arith.mulf %add3A_312, %exp3A_285 : vector<16xf32>
      %add3A_314 = arith.constant 0.999957501 : f32
      %add3A_315 = vector.broadcast %add3A_314 : f32 to vector<16xf32>
      %add3A_316 = arith.addf %mul3A_313, %add3A_315 : vector<16xf32>
      %mul3A_317 = arith.mulf %add3A_316, %exp3A_285 : vector<16xf32>
      %add3A_318 = arith.constant 5.62195908E-7 : f32
      %add3A_319 = vector.broadcast %add3A_318 : f32 to vector<16xf32>
      %add3A_320 = arith.addf %mul3A_317, %add3A_319 : vector<16xf32>
      %add3A_321 = arith.addf %sub3A_290, %add3A_320 : vector<16xf32>
      %jit3A_322 = arith.constant 0.000000e+00 : f32
      %broadcast_in_dim3A_323 = vector.broadcast %jit3A_322 : f32 to vector<16xf32>
      %select_n3A_324 = arith.select %and3A_170, %add3A_321, %broadcast_in_dim3A_323 : vector<16xi1>, vector<16xf32>
      %add3A_325 = arith.addf %add3A_244, %select_n3A_324 : vector<16xf32>
      %get3A_326 = arith.constant 2 : i32
      %get3A_327 = arith.index_cast %get3A_326 : i32 to index
      %get3A_328 = arith.index_cast %mul3A_160 : i32 to index
      %get3A_329 = tpu.vector_load %arg7[%get3A_327, %get3A_328] {strides = array<i32>} : memref<4x4480xf32, #tpu.memory_space<vmem>>, vector<1x16xf32>,
      %get3A_330 = vector.shape_cast %get3A_329 : vector<1x16xf32> to vector<16xf32>
      %get3A_331 = arith.constant 0 : i32
      %get3A_332 = arith.constant 2 : i32
      %get3A_333 = arith.index_cast %get3A_331 : i32 to index
      %get3A_334 = arith.index_cast %get3A_332 : i32 to index
      %get3A_335 = arith.index_cast %mul3A_160 : i32 to index
      %get3A_336 = tpu.vector_load %arg8[%get3A_333, %get3A_334, %get3A_335] {strides = array<i32>} : memref<4x4x4480xf32, #tpu.memory_space<vmem>>, vector<1x1x16xf32>,
      %get3A_337 = vector.shape_cast %get3A_336 : vector<1x1x16xf32> to vector<16xf32>
      %get3A_338 = arith.constant 1 : i32
      %get3A_339 = arith.constant 2 : i32
      %get3A_340 = arith.index_cast %get3A_338 : i32 to index
      %get3A_341 = arith.index_cast %get3A_339 : i32 to index
      %get3A_342 = arith.index_cast %mul3A_160 : i32 to index
      %get3A_343 = tpu.vector_load %arg8[%get3A_340, %get3A_341, %get3A_342] {strides = array<i32>} : memref<4x4x4480xf32, #tpu.memory_space<vmem>>, vector<1x1x16xf32>,
      %get3A_344 = vector.shape_cast %get3A_343 : vector<1x1x16xf32> to vector<16xf32>
      %add3A_345 = arith.addf %get3A_337, %get3A_344 : vector<16xf32>
      %get3A_346 = arith.constant 2 : i32
      %get3A_347 = arith.constant 2 : i32
      %get3A_348 = arith.index_cast %get3A_346 : i32 to index
      %get3A_349 = arith.index_cast %get3A_347 : i32 to index
      %get3A_350 = arith.index_cast %mul3A_160 : i32 to index
      %get3A_351 = tpu.vector_load %arg8[%get3A_348, %get3A_349, %get3A_350] {strides = array<i32>} : memref<4x4x4480xf32, #tpu.memory_space<vmem>>, vector<1x1x16xf32>,
      %get3A_352 = vector.shape_cast %get3A_351 : vector<1x1x16xf32> to vector<16xf32>
      %add3A_353 = arith.addf %add3A_345, %get3A_352 : vector<16xf32>
      %get3A_354 = arith.constant 3 : i32
      %get3A_355 = arith.constant 2 : i32
      %get3A_356 = arith.index_cast %get3A_354 : i32 to index
      %get3A_357 = arith.index_cast %get3A_355 : i32 to index
      %get3A_358 = arith.index_cast %mul3A_160 : i32 to index
      %get3A_359 = tpu.vector_load %arg8[%get3A_356, %get3A_357, %get3A_358] {strides = array<i32>} : memref<4x4x4480xf32, #tpu.memory_space<vmem>>, vector<1x1x16xf32>,
      %get3A_360 = vector.shape_cast %get3A_359 : vector<1x1x16xf32> to vector<16xf32>
      %add3A_361 = arith.addf %add3A_353, %get3A_360 : vector<16xf32>
      %abs3A_362 = math.absf %get3A_330 : vector<16xf32>
      %neg3A_363 = arith.constant 0.000000e+00 : f32
      %neg3A_364 = vector.broadcast %neg3A_363 : f32 to vector<16xf32>
      %neg3A_365 = arith.subf %neg3A_364, %abs3A_362 : vector<16xf32>
      %exp3A_366 = math.exp %neg3A_365 : vector<16xf32>
      %max3A_367 = arith.constant 0.000000e+00 : f32
      %max3A_368 = vector.broadcast %max3A_367 : f32 to vector<16xf32>
      %max3A_369 = arith.maximumf %get3A_330, %max3A_368 : vector<16xf32>
      %mul3A_370 = arith.mulf %get3A_330, %add3A_361 : vector<16xf32>
      %sub3A_371 = arith.subf %max3A_369, %mul3A_370 : vector<16xf32>
      %mul3A_372 = arith.constant 0.0101190833 : f32
      %mul3A_373 = vector.broadcast %mul3A_372 : f32 to vector<16xf32>
      %mul3A_374 = arith.mulf %mul3A_373, %exp3A_366 : vector<16xf32>
      %add3A_375 = arith.constant -0.0526248515 : f32
      %add3A_376 = vector.broadcast %add3A_375 : f32 to vector<16xf32>
      %add3A_377 = arith.addf %mul3A_374, %add3A_376 : vector<16xf32>
      %mul3A_378 = arith.mulf %add3A_377, %exp3A_366 : vector<16xf32>
      %add3A_379 = arith.constant 0.130765036 : f32
      %add3A_380 = vector.broadcast %add3A_379 : f32 to vector<16xf32>
      %add3A_381 = arith.addf %mul3A_378, %add3A_380 : vector<16xf32>
      %mul3A_382 = arith.mulf %add3A_381, %exp3A_366 : vector<16xf32>
      %add3A_383 = arith.constant -0.222836256 : f32
      %add3A_384 = vector.broadcast %add3A_383 : f32 to vector<16xf32>
      %add3A_385 = arith.addf %mul3A_382, %add3A_384 : vector<16xf32>
      %mul3A_386 = arith.mulf %add3A_385, %exp3A_366 : vector<16xf32>
      %add3A_387 = arith.constant 0.32697311 : f32
      %add3A_388 = vector.broadcast %add3A_387 : f32 to vector<16xf32>
      %add3A_389 = arith.addf %mul3A_386, %add3A_388 : vector<16xf32>
      %mul3A_390 = arith.mulf %add3A_389, %exp3A_366 : vector<16xf32>
      %add3A_391 = arith.constant -0.499206573 : f32
      %add3A_392 = vector.broadcast %add3A_391 : f32 to vector<16xf32>
      %add3A_393 = arith.addf %mul3A_390, %add3A_392 : vector<16xf32>
      %mul3A_394 = arith.mulf %add3A_393, %exp3A_366 : vector<16xf32>
      %add3A_395 = arith.constant 0.999957501 : f32
      %add3A_396 = vector.broadcast %add3A_395 : f32 to vector<16xf32>
      %add3A_397 = arith.addf %mul3A_394, %add3A_396 : vector<16xf32>
      %mul3A_398 = arith.mulf %add3A_397, %exp3A_366 : vector<16xf32>
      %add3A_399 = arith.constant 5.62195908E-7 : f32
      %add3A_400 = vector.broadcast %add3A_399 : f32 to vector<16xf32>
      %add3A_401 = arith.addf %mul3A_398, %add3A_400 : vector<16xf32>
      %add3A_402 = arith.addf %sub3A_371, %add3A_401 : vector<16xf32>
      %jit3A_403 = arith.constant 0.000000e+00 : f32
      %broadcast_in_dim3A_404 = vector.broadcast %jit3A_403 : f32 to vector<16xf32>
      %select_n3A_405 = arith.select %and3A_170, %add3A_402, %broadcast_in_dim3A_404 : vector<16xi1>, vector<16xf32>
      %add3A_406 = arith.addf %add3A_325, %select_n3A_405 : vector<16xf32>
      %get3A_407 = arith.constant 3 : i32
      %get3A_408 = arith.index_cast %get3A_407 : i32 to index
      %get3A_409 = arith.index_cast %mul3A_160 : i32 to index
      %get3A_410 = tpu.vector_load %arg7[%get3A_408, %get3A_409] {strides = array<i32>} : memref<4x4480xf32, #tpu.memory_space<vmem>>, vector<1x16xf32>,
      %get3A_411 = vector.shape_cast %get3A_410 : vector<1x16xf32> to vector<16xf32>
      %get3A_412 = arith.constant 0 : i32
      %get3A_413 = arith.constant 3 : i32
      %get3A_414 = arith.index_cast %get3A_412 : i32 to index
      %get3A_415 = arith.index_cast %get3A_413 : i32 to index
      %get3A_416 = arith.index_cast %mul3A_160 : i32 to index
      %get3A_417 = tpu.vector_load %arg8[%get3A_414, %get3A_415, %get3A_416] {strides = array<i32>} : memref<4x4x4480xf32, #tpu.memory_space<vmem>>, vector<1x1x16xf32>,
      %get3A_418 = vector.shape_cast %get3A_417 : vector<1x1x16xf32> to vector<16xf32>
      %get3A_419 = arith.constant 1 : i32
      %get3A_420 = arith.constant 3 : i32
      %get3A_421 = arith.index_cast %get3A_419 : i32 to index
      %get3A_422 = arith.index_cast %get3A_420 : i32 to index
      %get3A_423 = arith.index_cast %mul3A_160 : i32 to index
      %get3A_424 = tpu.vector_load %arg8[%get3A_421, %get3A_422, %get3A_423] {strides = array<i32>} : memref<4x4x4480xf32, #tpu.memory_space<vmem>>, vector<1x1x16xf32>,
      %get3A_425 = vector.shape_cast %get3A_424 : vector<1x1x16xf32> to vector<16xf32>
      %add3A_426 = arith.addf %get3A_418, %get3A_425 : vector<16xf32>
      %get3A_427 = arith.constant 2 : i32
      %get3A_428 = arith.constant 3 : i32
      %get3A_429 = arith.index_cast %get3A_427 : i32 to index
      %get3A_430 = arith.index_cast %get3A_428 : i32 to index
      %get3A_431 = arith.index_cast %mul3A_160 : i32 to index
      %get3A_432 = tpu.vector_load %arg8[%get3A_429, %get3A_430, %get3A_431] {strides = array<i32>} : memref<4x4x4480xf32, #tpu.memory_space<vmem>>, vector<1x1x16xf32>,
      %get3A_433 = vector.shape_cast %get3A_432 : vector<1x1x16xf32> to vector<16xf32>
      %add3A_434 = arith.addf %add3A_426, %get3A_433 : vector<16xf32>
      %get3A_435 = arith.constant 3 : i32
      %get3A_436 = arith.constant 3 : i32
      %get3A_437 = arith.index_cast %get3A_435 : i32 to index
      %get3A_438 = arith.index_cast %get3A_436 : i32 to index
      %get3A_439 = arith.index_cast %mul3A_160 : i32 to index
      %get3A_440 = tpu.vector_load %arg8[%get3A_437, %get3A_438, %get3A_439] {strides = array<i32>} : memref<4x4x4480xf32, #tpu.memory_space<vmem>>, vector<1x1x16xf32>,
      %get3A_441 = vector.shape_cast %get3A_440 : vector<1x1x16xf32> to vector<16xf32>
      %add3A_442 = arith.addf %add3A_434, %get3A_441 : vector<16xf32>
      %abs3A_443 = math.absf %get3A_411 : vector<16xf32>
      %neg3A_444 = arith.constant 0.000000e+00 : f32
      %neg3A_445 = vector.broadcast %neg3A_444 : f32 to vector<16xf32>
      %neg3A_446 = arith.subf %neg3A_445, %abs3A_443 : vector<16xf32>
      %exp3A_447 = math.exp %neg3A_446 : vector<16xf32>
      %max3A_448 = arith.constant 0.000000e+00 : f32
      %max3A_449 = vector.broadcast %max3A_448 : f32 to vector<16xf32>
      %max3A_450 = arith.maximumf %get3A_411, %max3A_449 : vector<16xf32>
      %mul3A_451 = arith.mulf %get3A_411, %add3A_442 : vector<16xf32>
      %sub3A_452 = arith.subf %max3A_450, %mul3A_451 : vector<16xf32>
      %mul3A_453 = arith.constant 0.0101190833 : f32
      %mul3A_454 = vector.broadcast %mul3A_453 : f32 to vector<16xf32>
      %mul3A_455 = arith.mulf %mul3A_454, %exp3A_447 : vector<16xf32>
      %add3A_456 = arith.constant -0.0526248515 : f32
      %add3A_457 = vector.broadcast %add3A_456 : f32 to vector<16xf32>
      %add3A_458 = arith.addf %mul3A_455, %add3A_457 : vector<16xf32>
      %mul3A_459 = arith.mulf %add3A_458, %exp3A_447 : vector<16xf32>
      %add3A_460 = arith.constant 0.130765036 : f32
      %add3A_461 = vector.broadcast %add3A_460 : f32 to vector<16xf32>
      %add3A_462 = arith.addf %mul3A_459, %add3A_461 : vector<16xf32>
      %mul3A_463 = arith.mulf %add3A_462, %exp3A_447 : vector<16xf32>
      %add3A_464 = arith.constant -0.222836256 : f32
      %add3A_465 = vector.broadcast %add3A_464 : f32 to vector<16xf32>
      %add3A_466 = arith.addf %mul3A_463, %add3A_465 : vector<16xf32>
      %mul3A_467 = arith.mulf %add3A_466, %exp3A_447 : vector<16xf32>
      %add3A_468 = arith.constant 0.32697311 : f32
      %add3A_469 = vector.broadcast %add3A_468 : f32 to vector<16xf32>
      %add3A_470 = arith.addf %mul3A_467, %add3A_469 : vector<16xf32>
      %mul3A_471 = arith.mulf %add3A_470, %exp3A_447 : vector<16xf32>
      %add3A_472 = arith.constant -0.499206573 : f32
      %add3A_473 = vector.broadcast %add3A_472 : f32 to vector<16xf32>
      %add3A_474 = arith.addf %mul3A_471, %add3A_473 : vector<16xf32>
      %mul3A_475 = arith.mulf %add3A_474, %exp3A_447 : vector<16xf32>
      %add3A_476 = arith.constant 0.999957501 : f32
      %add3A_477 = vector.broadcast %add3A_476 : f32 to vector<16xf32>
      %add3A_478 = arith.addf %mul3A_475, %add3A_477 : vector<16xf32>
      %mul3A_479 = arith.mulf %add3A_478, %exp3A_447 : vector<16xf32>
      %add3A_480 = arith.constant 5.62195908E-7 : f32
      %add3A_481 = vector.broadcast %add3A_480 : f32 to vector<16xf32>
      %add3A_482 = arith.addf %mul3A_479, %add3A_481 : vector<16xf32>
      %add3A_483 = arith.addf %sub3A_452, %add3A_482 : vector<16xf32>
      %jit3A_484 = arith.constant 0.000000e+00 : f32
      %broadcast_in_dim3A_485 = vector.broadcast %jit3A_484 : f32 to vector<16xf32>
      %select_n3A_486 = arith.select %and3A_170, %add3A_483, %broadcast_in_dim3A_485 : vector<16xi1>, vector<16xf32>
      %add3A_487 = arith.addf %add3A_406, %select_n3A_486 : vector<16xf32>
      scf.yield %add3A_487 : vector<16xf32>
    }
    %scan3A_151 = arith.constant 280 : i32
    %swap3A = arith.constant 0 : index
    %swap3A_152 = tpu.vector_load %arg12[%swap3A] {strides = array<i32>} : memref<16xf32, #tpu.memory_space<vmem>>, vector<16xf32>,
    %swap3A_153 = vector.shape_cast %swap3A_152 : vector<16xf32> to vector<16xf32>
    %swap3A_154 = vector.shape_cast %scan3A_150 : vector<16xf32> to vector<16xf32>
    tpu.vector_store %arg12[%swap3A], %swap3A_154 {strides = array<i32>} : memref<16xf32, #tpu.memory_space<vmem>>, vector<16xf32>,
    %eq3A = arith.constant 0 : i32
    %eq3A_155 = arith.cmpi eq, %add3A, %eq3A : i32
    %convert_element_type3A = arith.extui %eq3A_155 : i1 to i32
    %cond3A = arith.constant 0 : i32
    %cond3A_156 = arith.cmpi ne, %convert_element_type3A, %cond3A : i32
    scf.if %cond3A_156 {
      "tpu.region"() ({
        %run_scoped3A_176 = tpu.sem_alloc : memref<!tpu.dma_semaphore, #tpu.memory_space<semaphore_mem>>
        %dma_start3A_177 = arith.constant 141312 : i32
        %dma_start3A_178 = tpu.memref_slice %arg2[%dma_start3A_177] : memref<141376xf32, #tpu.memory_space<hbm>> -> memref<64xf32, #tpu.memory_space<hbm>>
        %dma_start3A_179 = arith.constant 141312 : i32
        %dma_start3A_180 = tpu.memref_slice %arg2[%dma_start3A_179] : memref<141376xf32, #tpu.memory_space<hbm>> -> memref<64xf32, #tpu.memory_space<hbm>>
        tpu.enqueue_dma source(%dma_start3A_180 : memref<64xf32, #tpu.memory_space<hbm>>) target(%arg9 : memref<64xf32, #tpu.memory_space<vmem>>) target_semaphore(%run_scoped3A_176 : memref<!tpu.dma_semaphore, #tpu.memory_space<semaphore_mem>>)
        %dma_wait3A_181 = arith.constant 141312 : i32
        %dma_wait3A_182 = tpu.memref_slice %arg2[%dma_wait3A_181] : memref<141376xf32, #tpu.memory_space<hbm>> -> memref<64xf32, #tpu.memory_space<hbm>>
        %dma_wait3A_183 = arith.constant 141312 : i32
        %dma_wait3A_184 = tpu.memref_slice %arg2[%dma_wait3A_183] : memref<141376xf32, #tpu.memory_space<hbm>> -> memref<64xf32, #tpu.memory_space<hbm>>
        tpu.wait_dma2 semaphore(%run_scoped3A_176 : memref<!tpu.dma_semaphore, #tpu.memory_space<semaphore_mem>>) src(%dma_wait3A_184 : memref<64xf32, #tpu.memory_space<hbm>>) dst(%arg9 : memref<64xf32, #tpu.memory_space<vmem>>)
        tpu.yield
      }) : () -> ()
      "tpu.region"() ({
        %run_scoped3A_176 = tpu.sem_alloc : memref<!tpu.dma_semaphore, #tpu.memory_space<semaphore_mem>>
        %dma_start3A_177 = arith.constant 0 : i32
        %dma_start3A_178 = arith.constant 141312 : i32
        %dma_start3A_179 = tpu.memref_slice %arg3[%dma_start3A_177, %dma_start3A_178] : memref<4x141376xf32, #tpu.memory_space<hbm>> -> memref<4x64xf32, #tpu.memory_space<hbm>>
        %dma_start3A_180 = arith.constant 0 : i32
        %dma_start3A_181 = arith.constant 141312 : i32
        %dma_start3A_182 = tpu.memref_slice %arg3[%dma_start3A_180, %dma_start3A_181] : memref<4x141376xf32, #tpu.memory_space<hbm>> -> memref<4x64xf32, #tpu.memory_space<hbm>>
        tpu.enqueue_dma source(%dma_start3A_182 : memref<4x64xf32, #tpu.memory_space<hbm>>) target(%arg10 : memref<4x64xf32, #tpu.memory_space<vmem>>) target_semaphore(%run_scoped3A_176 : memref<!tpu.dma_semaphore, #tpu.memory_space<semaphore_mem>>)
        %dma_wait3A_183 = arith.constant 0 : i32
        %dma_wait3A_184 = arith.constant 141312 : i32
        %dma_wait3A_185 = tpu.memref_slice %arg3[%dma_wait3A_183, %dma_wait3A_184] : memref<4x141376xf32, #tpu.memory_space<hbm>> -> memref<4x64xf32, #tpu.memory_space<hbm>>
        %dma_wait3A_186 = arith.constant 0 : i32
        %dma_wait3A_187 = arith.constant 141312 : i32
        %dma_wait3A_188 = tpu.memref_slice %arg3[%dma_wait3A_186, %dma_wait3A_187] : memref<4x141376xf32, #tpu.memory_space<hbm>> -> memref<4x64xf32, #tpu.memory_space<hbm>>
        tpu.wait_dma2 semaphore(%run_scoped3A_176 : memref<!tpu.dma_semaphore, #tpu.memory_space<semaphore_mem>>) src(%dma_wait3A_188 : memref<4x64xf32, #tpu.memory_space<hbm>>) dst(%arg10 : memref<4x64xf32, #tpu.memory_space<vmem>>)
        tpu.yield
      }) : () -> ()
      %run_scoped3A = arith.constant 0 : i32
      %run_scoped3A_157 = arith.constant 0 : i32
      "tpu.region"() ({
        %run_scoped3A_176 = tpu.sem_alloc : memref<!tpu.dma_semaphore, #tpu.memory_space<semaphore_mem>>
        %dma_start3A_177 = arith.constant 0 : i32
        %dma_start3A_178 = arith.constant 0 : i32
        %dma_start3A_179 = tpu.memref_slice %arg11[%run_scoped3A_157, %dma_start3A_177, %dma_start3A_178] : memref<4x4x64xf32, #tpu.memory_space<vmem>> -> memref<1x4x64xf32, #tpu.memory_space<vmem>>
        %dma_start3A_180 = tpu.memref_squeeze %dma_start3A_179 : memref<1x4x64xf32, #tpu.memory_space<vmem>> -> memref<4x64xf32, #tpu.memory_space<vmem>>
        %dma_start3A_181 = arith.constant 0 : i32
        %dma_start3A_182 = arith.constant 141312 : i32
        %dma_start3A_183 = tpu.memref_slice %arg4[%run_scoped3A, %dma_start3A_181, %dma_start3A_182] : memref<4x4x141376xf32, #tpu.memory_space<hbm>> -> memref<1x4x64xf32, #tpu.memory_space<hbm>>
        %dma_start3A_184 = tpu.memref_squeeze %dma_start3A_183 : memref<1x4x64xf32, #tpu.memory_space<hbm>> -> memref<4x64xf32, #tpu.memory_space<hbm>>
        %dma_start3A_185 = arith.constant 0 : i32
        %dma_start3A_186 = arith.constant 0 : i32
        %dma_start3A_187 = tpu.memref_slice %arg11[%run_scoped3A_157, %dma_start3A_185, %dma_start3A_186] : memref<4x4x64xf32, #tpu.memory_space<vmem>> -> memref<1x4x64xf32, #tpu.memory_space<vmem>>
        %dma_start3A_188 = tpu.memref_squeeze %dma_start3A_187 : memref<1x4x64xf32, #tpu.memory_space<vmem>> -> memref<4x64xf32, #tpu.memory_space<vmem>>
        %dma_start3A_189 = arith.constant 0 : i32
        %dma_start3A_190 = arith.constant 141312 : i32
        %dma_start3A_191 = tpu.memref_slice %arg4[%run_scoped3A, %dma_start3A_189, %dma_start3A_190] : memref<4x4x141376xf32, #tpu.memory_space<hbm>> -> memref<1x4x64xf32, #tpu.memory_space<hbm>>
        %dma_start3A_192 = tpu.memref_squeeze %dma_start3A_191 : memref<1x4x64xf32, #tpu.memory_space<hbm>> -> memref<4x64xf32, #tpu.memory_space<hbm>>
        tpu.enqueue_dma source(%dma_start3A_192 : memref<4x64xf32, #tpu.memory_space<hbm>>) target(%dma_start3A_188 : memref<4x64xf32, #tpu.memory_space<vmem>>) target_semaphore(%run_scoped3A_176 : memref<!tpu.dma_semaphore, #tpu.memory_space<semaphore_mem>>)
        %dma_wait3A_193 = arith.constant 0 : i32
        %dma_wait3A_194 = arith.constant 0 : i32
        %dma_wait3A_195 = tpu.memref_slice %arg11[%run_scoped3A_157, %dma_wait3A_193, %dma_wait3A_194] : memref<4x4x64xf32, #tpu.memory_space<vmem>> -> memref<1x4x64xf32, #tpu.memory_space<vmem>>
        %dma_wait3A_196 = tpu.memref_squeeze %dma_wait3A_195 : memref<1x4x64xf32, #tpu.memory_space<vmem>> -> memref<4x64xf32, #tpu.memory_space<vmem>>
        %dma_wait3A_197 = arith.constant 0 : i32
        %dma_wait3A_198 = arith.constant 141312 : i32
        %dma_wait3A_199 = tpu.memref_slice %arg4[%run_scoped3A, %dma_wait3A_197, %dma_wait3A_198] : memref<4x4x141376xf32, #tpu.memory_space<hbm>> -> memref<1x4x64xf32, #tpu.memory_space<hbm>>
        %dma_wait3A_200 = tpu.memref_squeeze %dma_wait3A_199 : memref<1x4x64xf32, #tpu.memory_space<hbm>> -> memref<4x64xf32, #tpu.memory_space<hbm>>
        %dma_wait3A_201 = arith.constant 0 : i32
        %dma_wait3A_202 = arith.constant 0 : i32
        %dma_wait3A_203 = tpu.memref_slice %arg11[%run_scoped3A_157, %dma_wait3A_201, %dma_wait3A_202] : memref<4x4x64xf32, #tpu.memory_space<vmem>> -> memref<1x4x64xf32, #tpu.memory_space<vmem>>
        %dma_wait3A_204 = tpu.memref_squeeze %dma_wait3A_203 : memref<1x4x64xf32, #tpu.memory_space<vmem>> -> memref<4x64xf32, #tpu.memory_space<vmem>>
        %dma_wait3A_205 = arith.constant 0 : i32
        %dma_wait3A_206 = arith.constant 141312 : i32
        %dma_wait3A_207 = tpu.memref_slice %arg4[%run_scoped3A, %dma_wait3A_205, %dma_wait3A_206] : memref<4x4x141376xf32, #tpu.memory_space<hbm>> -> memref<1x4x64xf32, #tpu.memory_space<hbm>>
        %dma_wait3A_208 = tpu.memref_squeeze %dma_wait3A_207 : memref<1x4x64xf32, #tpu.memory_space<hbm>> -> memref<4x64xf32, #tpu.memory_space<hbm>>
        tpu.wait_dma2 semaphore(%run_scoped3A_176 : memref<!tpu.dma_semaphore, #tpu.memory_space<semaphore_mem>>) src(%dma_wait3A_208 : memref<4x64xf32, #tpu.memory_space<hbm>>) dst(%dma_wait3A_204 : memref<4x64xf32, #tpu.memory_space<vmem>>)
        tpu.yield
      }) : () -> ()
      %run_scoped3A_158 = arith.constant 1 : i32
      %run_scoped3A_159 = arith.constant 1 : i32
      "tpu.region"() ({
        %run_scoped3A_176 = tpu.sem_alloc : memref<!tpu.dma_semaphore, #tpu.memory_space<semaphore_mem>>
        %dma_start3A_177 = arith.constant 0 : i32
        %dma_start3A_178 = arith.constant 0 : i32
        %dma_start3A_179 = tpu.memref_slice %arg11[%run_scoped3A_159, %dma_start3A_177, %dma_start3A_178] : memref<4x4x64xf32, #tpu.memory_space<vmem>> -> memref<1x4x64xf32, #tpu.memory_space<vmem>>
        %dma_start3A_180 = tpu.memref_squeeze %dma_start3A_179 : memref<1x4x64xf32, #tpu.memory_space<vmem>> -> memref<4x64xf32, #tpu.memory_space<vmem>>
        %dma_start3A_181 = arith.constant 0 : i32
        %dma_start3A_182 = arith.constant 141312 : i32
        %dma_start3A_183 = tpu.memref_slice %arg4[%run_scoped3A_158, %dma_start3A_181, %dma_start3A_182] : memref<4x4x141376xf32, #tpu.memory_space<hbm>> -> memref<1x4x64xf32, #tpu.memory_space<hbm>>
        %dma_start3A_184 = tpu.memref_squeeze %dma_start3A_183 : memref<1x4x64xf32, #tpu.memory_space<hbm>> -> memref<4x64xf32, #tpu.memory_space<hbm>>
        %dma_start3A_185 = arith.constant 0 : i32
        %dma_start3A_186 = arith.constant 0 : i32
        %dma_start3A_187 = tpu.memref_slice %arg11[%run_scoped3A_159, %dma_start3A_185, %dma_start3A_186] : memref<4x4x64xf32, #tpu.memory_space<vmem>> -> memref<1x4x64xf32, #tpu.memory_space<vmem>>
        %dma_start3A_188 = tpu.memref_squeeze %dma_start3A_187 : memref<1x4x64xf32, #tpu.memory_space<vmem>> -> memref<4x64xf32, #tpu.memory_space<vmem>>
        %dma_start3A_189 = arith.constant 0 : i32
        %dma_start3A_190 = arith.constant 141312 : i32
        %dma_start3A_191 = tpu.memref_slice %arg4[%run_scoped3A_158, %dma_start3A_189, %dma_start3A_190] : memref<4x4x141376xf32, #tpu.memory_space<hbm>> -> memref<1x4x64xf32, #tpu.memory_space<hbm>>
        %dma_start3A_192 = tpu.memref_squeeze %dma_start3A_191 : memref<1x4x64xf32, #tpu.memory_space<hbm>> -> memref<4x64xf32, #tpu.memory_space<hbm>>
        tpu.enqueue_dma source(%dma_start3A_192 : memref<4x64xf32, #tpu.memory_space<hbm>>) target(%dma_start3A_188 : memref<4x64xf32, #tpu.memory_space<vmem>>) target_semaphore(%run_scoped3A_176 : memref<!tpu.dma_semaphore, #tpu.memory_space<semaphore_mem>>)
        %dma_wait3A_193 = arith.constant 0 : i32
        %dma_wait3A_194 = arith.constant 0 : i32
        %dma_wait3A_195 = tpu.memref_slice %arg11[%run_scoped3A_159, %dma_wait3A_193, %dma_wait3A_194] : memref<4x4x64xf32, #tpu.memory_space<vmem>> -> memref<1x4x64xf32, #tpu.memory_space<vmem>>
        %dma_wait3A_196 = tpu.memref_squeeze %dma_wait3A_195 : memref<1x4x64xf32, #tpu.memory_space<vmem>> -> memref<4x64xf32, #tpu.memory_space<vmem>>
        %dma_wait3A_197 = arith.constant 0 : i32
        %dma_wait3A_198 = arith.constant 141312 : i32
        %dma_wait3A_199 = tpu.memref_slice %arg4[%run_scoped3A_158, %dma_wait3A_197, %dma_wait3A_198] : memref<4x4x141376xf32, #tpu.memory_space<hbm>> -> memref<1x4x64xf32, #tpu.memory_space<hbm>>
        %dma_wait3A_200 = tpu.memref_squeeze %dma_wait3A_199 : memref<1x4x64xf32, #tpu.memory_space<hbm>> -> memref<4x64xf32, #tpu.memory_space<hbm>>
        %dma_wait3A_201 = arith.constant 0 : i32
        %dma_wait3A_202 = arith.constant 0 : i32
        %dma_wait3A_203 = tpu.memref_slice %arg11[%run_scoped3A_159, %dma_wait3A_201, %dma_wait3A_202] : memref<4x4x64xf32, #tpu.memory_space<vmem>> -> memref<1x4x64xf32, #tpu.memory_space<vmem>>
        %dma_wait3A_204 = tpu.memref_squeeze %dma_wait3A_203 : memref<1x4x64xf32, #tpu.memory_space<vmem>> -> memref<4x64xf32, #tpu.memory_space<vmem>>
        %dma_wait3A_205 = arith.constant 0 : i32
        %dma_wait3A_206 = arith.constant 141312 : i32
        %dma_wait3A_207 = tpu.memref_slice %arg4[%run_scoped3A_158, %dma_wait3A_205, %dma_wait3A_206] : memref<4x4x141376xf32, #tpu.memory_space<hbm>> -> memref<1x4x64xf32, #tpu.memory_space<hbm>>
        %dma_wait3A_208 = tpu.memref_squeeze %dma_wait3A_207 : memref<1x4x64xf32, #tpu.memory_space<hbm>> -> memref<4x64xf32, #tpu.memory_space<hbm>>
        tpu.wait_dma2 semaphore(%run_scoped3A_176 : memref<!tpu.dma_semaphore, #tpu.memory_space<semaphore_mem>>) src(%dma_wait3A_208 : memref<4x64xf32, #tpu.memory_space<hbm>>) dst(%dma_wait3A_204 : memref<4x64xf32, #tpu.memory_space<vmem>>)
        tpu.yield
      }) : () -> ()
      %run_scoped3A_160 = arith.constant 2 : i32
      %run_scoped3A_161 = arith.constant 2 : i32
      "tpu.region"() ({
        %run_scoped3A_176 = tpu.sem_alloc : memref<!tpu.dma_semaphore, #tpu.memory_space<semaphore_mem>>
        %dma_start3A_177 = arith.constant 0 : i32
        %dma_start3A_178 = arith.constant 0 : i32
        %dma_start3A_179 = tpu.memref_slice %arg11[%run_scoped3A_161, %dma_start3A_177, %dma_start3A_178] : memref<4x4x64xf32, #tpu.memory_space<vmem>> -> memref<1x4x64xf32, #tpu.memory_space<vmem>>
        %dma_start3A_180 = tpu.memref_squeeze %dma_start3A_179 : memref<1x4x64xf32, #tpu.memory_space<vmem>> -> memref<4x64xf32, #tpu.memory_space<vmem>>
        %dma_start3A_181 = arith.constant 0 : i32
        %dma_start3A_182 = arith.constant 141312 : i32
        %dma_start3A_183 = tpu.memref_slice %arg4[%run_scoped3A_160, %dma_start3A_181, %dma_start3A_182] : memref<4x4x141376xf32, #tpu.memory_space<hbm>> -> memref<1x4x64xf32, #tpu.memory_space<hbm>>
        %dma_start3A_184 = tpu.memref_squeeze %dma_start3A_183 : memref<1x4x64xf32, #tpu.memory_space<hbm>> -> memref<4x64xf32, #tpu.memory_space<hbm>>
        %dma_start3A_185 = arith.constant 0 : i32
        %dma_start3A_186 = arith.constant 0 : i32
        %dma_start3A_187 = tpu.memref_slice %arg11[%run_scoped3A_161, %dma_start3A_185, %dma_start3A_186] : memref<4x4x64xf32, #tpu.memory_space<vmem>> -> memref<1x4x64xf32, #tpu.memory_space<vmem>>
        %dma_start3A_188 = tpu.memref_squeeze %dma_start3A_187 : memref<1x4x64xf32, #tpu.memory_space<vmem>> -> memref<4x64xf32, #tpu.memory_space<vmem>>
        %dma_start3A_189 = arith.constant 0 : i32
        %dma_start3A_190 = arith.constant 141312 : i32
        %dma_start3A_191 = tpu.memref_slice %arg4[%run_scoped3A_160, %dma_start3A_189, %dma_start3A_190] : memref<4x4x141376xf32, #tpu.memory_space<hbm>> -> memref<1x4x64xf32, #tpu.memory_space<hbm>>
        %dma_start3A_192 = tpu.memref_squeeze %dma_start3A_191 : memref<1x4x64xf32, #tpu.memory_space<hbm>> -> memref<4x64xf32, #tpu.memory_space<hbm>>
        tpu.enqueue_dma source(%dma_start3A_192 : memref<4x64xf32, #tpu.memory_space<hbm>>) target(%dma_start3A_188 : memref<4x64xf32, #tpu.memory_space<vmem>>) target_semaphore(%run_scoped3A_176 : memref<!tpu.dma_semaphore, #tpu.memory_space<semaphore_mem>>)
        %dma_wait3A_193 = arith.constant 0 : i32
        %dma_wait3A_194 = arith.constant 0 : i32
        %dma_wait3A_195 = tpu.memref_slice %arg11[%run_scoped3A_161, %dma_wait3A_193, %dma_wait3A_194] : memref<4x4x64xf32, #tpu.memory_space<vmem>> -> memref<1x4x64xf32, #tpu.memory_space<vmem>>
        %dma_wait3A_196 = tpu.memref_squeeze %dma_wait3A_195 : memref<1x4x64xf32, #tpu.memory_space<vmem>> -> memref<4x64xf32, #tpu.memory_space<vmem>>
        %dma_wait3A_197 = arith.constant 0 : i32
        %dma_wait3A_198 = arith.constant 141312 : i32
        %dma_wait3A_199 = tpu.memref_slice %arg4[%run_scoped3A_160, %dma_wait3A_197, %dma_wait3A_198] : memref<4x4x141376xf32, #tpu.memory_space<hbm>> -> memref<1x4x64xf32, #tpu.memory_space<hbm>>
        %dma_wait3A_200 = tpu.memref_squeeze %dma_wait3A_199 : memref<1x4x64xf32, #tpu.memory_space<hbm>> -> memref<4x64xf32, #tpu.memory_space<hbm>>
        %dma_wait3A_201 = arith.constant 0 : i32
        %dma_wait3A_202 = arith.constant 0 : i32
        %dma_wait3A_203 = tpu.memref_slice %arg11[%run_scoped3A_161, %dma_wait3A_201, %dma_wait3A_202] : memref<4x4x64xf32, #tpu.memory_space<vmem>> -> memref<1x4x64xf32, #tpu.memory_space<vmem>>
        %dma_wait3A_204 = tpu.memref_squeeze %dma_wait3A_203 : memref<1x4x64xf32, #tpu.memory_space<vmem>> -> memref<4x64xf32, #tpu.memory_space<vmem>>
        %dma_wait3A_205 = arith.constant 0 : i32
        %dma_wait3A_206 = arith.constant 141312 : i32
        %dma_wait3A_207 = tpu.memref_slice %arg4[%run_scoped3A_160, %dma_wait3A_205, %dma_wait3A_206] : memref<4x4x141376xf32, #tpu.memory_space<hbm>> -> memref<1x4x64xf32, #tpu.memory_space<hbm>>
        %dma_wait3A_208 = tpu.memref_squeeze %dma_wait3A_207 : memref<1x4x64xf32, #tpu.memory_space<hbm>> -> memref<4x64xf32, #tpu.memory_space<hbm>>
        tpu.wait_dma2 semaphore(%run_scoped3A_176 : memref<!tpu.dma_semaphore, #tpu.memory_space<semaphore_mem>>) src(%dma_wait3A_208 : memref<4x64xf32, #tpu.memory_space<hbm>>) dst(%dma_wait3A_204 : memref<4x64xf32, #tpu.memory_space<vmem>>)
        tpu.yield
      }) : () -> ()
      %run_scoped3A_162 = arith.constant 3 : i32
      %run_scoped3A_163 = arith.constant 3 : i32
      "tpu.region"() ({
        %run_scoped3A_176 = tpu.sem_alloc : memref<!tpu.dma_semaphore, #tpu.memory_space<semaphore_mem>>
        %dma_start3A_177 = arith.constant 0 : i32
        %dma_start3A_178 = arith.constant 0 : i32
        %dma_start3A_179 = tpu.memref_slice %arg11[%run_scoped3A_163, %dma_start3A_177, %dma_start3A_178] : memref<4x4x64xf32, #tpu.memory_space<vmem>> -> memref<1x4x64xf32, #tpu.memory_space<vmem>>
        %dma_start3A_180 = tpu.memref_squeeze %dma_start3A_179 : memref<1x4x64xf32, #tpu.memory_space<vmem>> -> memref<4x64xf32, #tpu.memory_space<vmem>>
        %dma_start3A_181 = arith.constant 0 : i32
        %dma_start3A_182 = arith.constant 141312 : i32
        %dma_start3A_183 = tpu.memref_slice %arg4[%run_scoped3A_162, %dma_start3A_181, %dma_start3A_182] : memref<4x4x141376xf32, #tpu.memory_space<hbm>> -> memref<1x4x64xf32, #tpu.memory_space<hbm>>
        %dma_start3A_184 = tpu.memref_squeeze %dma_start3A_183 : memref<1x4x64xf32, #tpu.memory_space<hbm>> -> memref<4x64xf32, #tpu.memory_space<hbm>>
        %dma_start3A_185 = arith.constant 0 : i32
        %dma_start3A_186 = arith.constant 0 : i32
        %dma_start3A_187 = tpu.memref_slice %arg11[%run_scoped3A_163, %dma_start3A_185, %dma_start3A_186] : memref<4x4x64xf32, #tpu.memory_space<vmem>> -> memref<1x4x64xf32, #tpu.memory_space<vmem>>
        %dma_start3A_188 = tpu.memref_squeeze %dma_start3A_187 : memref<1x4x64xf32, #tpu.memory_space<vmem>> -> memref<4x64xf32, #tpu.memory_space<vmem>>
        %dma_start3A_189 = arith.constant 0 : i32
        %dma_start3A_190 = arith.constant 141312 : i32
        %dma_start3A_191 = tpu.memref_slice %arg4[%run_scoped3A_162, %dma_start3A_189, %dma_start3A_190] : memref<4x4x141376xf32, #tpu.memory_space<hbm>> -> memref<1x4x64xf32, #tpu.memory_space<hbm>>
        %dma_start3A_192 = tpu.memref_squeeze %dma_start3A_191 : memref<1x4x64xf32, #tpu.memory_space<hbm>> -> memref<4x64xf32, #tpu.memory_space<hbm>>
        tpu.enqueue_dma source(%dma_start3A_192 : memref<4x64xf32, #tpu.memory_space<hbm>>) target(%dma_start3A_188 : memref<4x64xf32, #tpu.memory_space<vmem>>) target_semaphore(%run_scoped3A_176 : memref<!tpu.dma_semaphore, #tpu.memory_space<semaphore_mem>>)
        %dma_wait3A_193 = arith.constant 0 : i32
        %dma_wait3A_194 = arith.constant 0 : i32
        %dma_wait3A_195 = tpu.memref_slice %arg11[%run_scoped3A_163, %dma_wait3A_193, %dma_wait3A_194] : memref<4x4x64xf32, #tpu.memory_space<vmem>> -> memref<1x4x64xf32, #tpu.memory_space<vmem>>
        %dma_wait3A_196 = tpu.memref_squeeze %dma_wait3A_195 : memref<1x4x64xf32, #tpu.memory_space<vmem>> -> memref<4x64xf32, #tpu.memory_space<vmem>>
        %dma_wait3A_197 = arith.constant 0 : i32
        %dma_wait3A_198 = arith.constant 141312 : i32
        %dma_wait3A_199 = tpu.memref_slice %arg4[%run_scoped3A_162, %dma_wait3A_197, %dma_wait3A_198] : memref<4x4x141376xf32, #tpu.memory_space<hbm>> -> memref<1x4x64xf32, #tpu.memory_space<hbm>>
        %dma_wait3A_200 = tpu.memref_squeeze %dma_wait3A_199 : memref<1x4x64xf32, #tpu.memory_space<hbm>> -> memref<4x64xf32, #tpu.memory_space<hbm>>
        %dma_wait3A_201 = arith.constant 0 : i32
        %dma_wait3A_202 = arith.constant 0 : i32
        %dma_wait3A_203 = tpu.memref_slice %arg11[%run_scoped3A_163, %dma_wait3A_201, %dma_wait3A_202] : memref<4x4x64xf32, #tpu.memory_space<vmem>> -> memref<1x4x64xf32, #tpu.memory_space<vmem>>
        %dma_wait3A_204 = tpu.memref_squeeze %dma_wait3A_203 : memref<1x4x64xf32, #tpu.memory_space<vmem>> -> memref<4x64xf32, #tpu.memory_space<vmem>>
        %dma_wait3A_205 = arith.constant 0 : i32
        %dma_wait3A_206 = arith.constant 141312 : i32
        %dma_wait3A_207 = tpu.memref_slice %arg4[%run_scoped3A_162, %dma_wait3A_205, %dma_wait3A_206] : memref<4x4x141376xf32, #tpu.memory_space<hbm>> -> memref<1x4x64xf32, #tpu.memory_space<hbm>>
        %dma_wait3A_208 = tpu.memref_squeeze %dma_wait3A_207 : memref<1x4x64xf32, #tpu.memory_space<hbm>> -> memref<4x64xf32, #tpu.memory_space<hbm>>
        tpu.wait_dma2 semaphore(%run_scoped3A_176 : memref<!tpu.dma_semaphore, #tpu.memory_space<semaphore_mem>>) src(%dma_wait3A_208 : memref<4x64xf32, #tpu.memory_space<hbm>>) dst(%dma_wait3A_204 : memref<4x64xf32, #tpu.memory_space<vmem>>)
        tpu.yield
      }) : () -> ()
      %get3A = arith.constant 0 : index
      %get3A_164 = tpu.vector_load %arg12[%get3A] {strides = array<i32>} : memref<16xf32, #tpu.memory_space<vmem>>, vector<16xf32>,
      %get3A_165 = vector.shape_cast %get3A_164 : vector<16xf32> to vector<16xf32>
      %scan3A_166 = arith.constant 0 : i32
      %scan3A_167 = arith.constant 4 : i32
      %scan3A_168 = arith.addi %scan3A_166, %scan3A_167 : i32
      %scan3A_169 = arith.constant 1 : i32
      %scan3A_170 = scf.for %scan3A_176 = %scan3A_166 to %scan3A_168 step %scan3A_169 iter_args(%scan3A_177 = %get3A_165) -> (vector<16xf32>)  : i32 {
        %mul3A_178 = arith.constant 16 : i32
        %mul3A_179 = arith.muli %scan3A_176, %mul3A_178 : i32
        %get3A_180 = arith.index_cast %mul3A_179 : i32 to index
        %get3A_181 = tpu.vector_load %arg9[%get3A_180] {strides = array<i32>} : memref<64xf32, #tpu.memory_space<vmem>>, vector<16xf32>,
        %get3A_182 = vector.shape_cast %get3A_181 : vector<16xf32> to vector<16xf32>
        %gt3A = arith.constant 0.000000e+00 : f32
        %gt3A_183 = vector.broadcast %gt3A : f32 to vector<16xf32>
        %gt3A_184 = arith.cmpf ogt, %get3A_182, %gt3A_183 : vector<16xf32>
        %get3A_185 = arith.constant 0 : i32
        %get3A_186 = arith.index_cast %get3A_185 : i32 to index
        %get3A_187 = arith.index_cast %mul3A_179 : i32 to index
        %get3A_188 = tpu.vector_load %arg10[%get3A_186, %get3A_187] {strides = array<i32>} : memref<4x64xf32, #tpu.memory_space<vmem>>, vector<1x16xf32>,
        %get3A_189 = vector.shape_cast %get3A_188 : vector<1x16xf32> to vector<16xf32>
        %get3A_190 = arith.constant 0 : i32
        %get3A_191 = arith.constant 0 : i32
        %get3A_192 = arith.index_cast %get3A_190 : i32 to index
        %get3A_193 = arith.index_cast %get3A_191 : i32 to index
        %get3A_194 = arith.index_cast %mul3A_179 : i32 to index
        %get3A_195 = tpu.vector_load %arg11[%get3A_192, %get3A_193, %get3A_194] {strides = array<i32>} : memref<4x4x64xf32, #tpu.memory_space<vmem>>, vector<1x1x16xf32>,
        %get3A_196 = vector.shape_cast %get3A_195 : vector<1x1x16xf32> to vector<16xf32>
        %get3A_197 = arith.constant 1 : i32
        %get3A_198 = arith.constant 0 : i32
        %get3A_199 = arith.index_cast %get3A_197 : i32 to index
        %get3A_200 = arith.index_cast %get3A_198 : i32 to index
        %get3A_201 = arith.index_cast %mul3A_179 : i32 to index
        %get3A_202 = tpu.vector_load %arg11[%get3A_199, %get3A_200, %get3A_201] {strides = array<i32>} : memref<4x4x64xf32, #tpu.memory_space<vmem>>, vector<1x1x16xf32>,
        %get3A_203 = vector.shape_cast %get3A_202 : vector<1x1x16xf32> to vector<16xf32>
        %add3A_204 = arith.addf %get3A_196, %get3A_203 : vector<16xf32>
        %get3A_205 = arith.constant 2 : i32
        %get3A_206 = arith.constant 0 : i32
        %get3A_207 = arith.index_cast %get3A_205 : i32 to index
        %get3A_208 = arith.index_cast %get3A_206 : i32 to index
        %get3A_209 = arith.index_cast %mul3A_179 : i32 to index
        %get3A_210 = tpu.vector_load %arg11[%get3A_207, %get3A_208, %get3A_209] {strides = array<i32>} : memref<4x4x64xf32, #tpu.memory_space<vmem>>, vector<1x1x16xf32>,
        %get3A_211 = vector.shape_cast %get3A_210 : vector<1x1x16xf32> to vector<16xf32>
        %add3A_212 = arith.addf %add3A_204, %get3A_211 : vector<16xf32>
        %get3A_213 = arith.constant 3 : i32
        %get3A_214 = arith.constant 0 : i32
        %get3A_215 = arith.index_cast %get3A_213 : i32 to index
        %get3A_216 = arith.index_cast %get3A_214 : i32 to index
        %get3A_217 = arith.index_cast %mul3A_179 : i32 to index
        %get3A_218 = tpu.vector_load %arg11[%get3A_215, %get3A_216, %get3A_217] {strides = array<i32>} : memref<4x4x64xf32, #tpu.memory_space<vmem>>, vector<1x1x16xf32>,
        %get3A_219 = vector.shape_cast %get3A_218 : vector<1x1x16xf32> to vector<16xf32>
        %add3A_220 = arith.addf %add3A_212, %get3A_219 : vector<16xf32>
        %abs3A = math.absf %get3A_189 : vector<16xf32>
        %neg3A = arith.constant 0.000000e+00 : f32
        %neg3A_221 = vector.broadcast %neg3A : f32 to vector<16xf32>
        %neg3A_222 = arith.subf %neg3A_221, %abs3A : vector<16xf32>
        %exp3A = math.exp %neg3A_222 : vector<16xf32>
        %max3A = arith.constant 0.000000e+00 : f32
        %max3A_223 = vector.broadcast %max3A : f32 to vector<16xf32>
        %max3A_224 = arith.maximumf %get3A_189, %max3A_223 : vector<16xf32>
        %mul3A_225 = arith.mulf %get3A_189, %add3A_220 : vector<16xf32>
        %sub3A = arith.subf %max3A_224, %mul3A_225 : vector<16xf32>
        %mul3A_226 = arith.constant 0.0101190833 : f32
        %mul3A_227 = vector.broadcast %mul3A_226 : f32 to vector<16xf32>
        %mul3A_228 = arith.mulf %mul3A_227, %exp3A : vector<16xf32>
        %add3A_229 = arith.constant -0.0526248515 : f32
        %add3A_230 = vector.broadcast %add3A_229 : f32 to vector<16xf32>
        %add3A_231 = arith.addf %mul3A_228, %add3A_230 : vector<16xf32>
        %mul3A_232 = arith.mulf %add3A_231, %exp3A : vector<16xf32>
        %add3A_233 = arith.constant 0.130765036 : f32
        %add3A_234 = vector.broadcast %add3A_233 : f32 to vector<16xf32>
        %add3A_235 = arith.addf %mul3A_232, %add3A_234 : vector<16xf32>
        %mul3A_236 = arith.mulf %add3A_235, %exp3A : vector<16xf32>
        %add3A_237 = arith.constant -0.222836256 : f32
        %add3A_238 = vector.broadcast %add3A_237 : f32 to vector<16xf32>
        %add3A_239 = arith.addf %mul3A_236, %add3A_238 : vector<16xf32>
        %mul3A_240 = arith.mulf %add3A_239, %exp3A : vector<16xf32>
        %add3A_241 = arith.constant 0.32697311 : f32
        %add3A_242 = vector.broadcast %add3A_241 : f32 to vector<16xf32>
        %add3A_243 = arith.addf %mul3A_240, %add3A_242 : vector<16xf32>
        %mul3A_244 = arith.mulf %add3A_243, %exp3A : vector<16xf32>
        %add3A_245 = arith.constant -0.499206573 : f32
        %add3A_246 = vector.broadcast %add3A_245 : f32 to vector<16xf32>
        %add3A_247 = arith.addf %mul3A_244, %add3A_246 : vector<16xf32>
        %mul3A_248 = arith.mulf %add3A_247, %exp3A : vector<16xf32>
        %add3A_249 = arith.constant 0.999957501 : f32
        %add3A_250 = vector.broadcast %add3A_249 : f32 to vector<16xf32>
        %add3A_251 = arith.addf %mul3A_248, %add3A_250 : vector<16xf32>
        %mul3A_252 = arith.mulf %add3A_251, %exp3A : vector<16xf32>
        %add3A_253 = arith.constant 5.62195908E-7 : f32
        %add3A_254 = vector.broadcast %add3A_253 : f32 to vector<16xf32>
        %add3A_255 = arith.addf %mul3A_252, %add3A_254 : vector<16xf32>
        %add3A_256 = arith.addf %sub3A, %add3A_255 : vector<16xf32>
        %jit3A = arith.constant 0.000000e+00 : f32
        %broadcast_in_dim3A_257 = vector.broadcast %jit3A : f32 to vector<16xf32>
        %select_n3A = arith.select %gt3A_184, %add3A_256, %broadcast_in_dim3A_257 : vector<16xi1>, vector<16xf32>
        %add3A_258 = arith.addf %scan3A_177, %select_n3A : vector<16xf32>
        %get3A_259 = arith.constant 1 : i32
        %get3A_260 = arith.index_cast %get3A_259 : i32 to index
        %get3A_261 = arith.index_cast %mul3A_179 : i32 to index
        %get3A_262 = tpu.vector_load %arg10[%get3A_260, %get3A_261] {strides = array<i32>} : memref<4x64xf32, #tpu.memory_space<vmem>>, vector<1x16xf32>,
        %get3A_263 = vector.shape_cast %get3A_262 : vector<1x16xf32> to vector<16xf32>
        %get3A_264 = arith.constant 0 : i32
        %get3A_265 = arith.constant 1 : i32
        %get3A_266 = arith.index_cast %get3A_264 : i32 to index
        %get3A_267 = arith.index_cast %get3A_265 : i32 to index
        %get3A_268 = arith.index_cast %mul3A_179 : i32 to index
        %get3A_269 = tpu.vector_load %arg11[%get3A_266, %get3A_267, %get3A_268] {strides = array<i32>} : memref<4x4x64xf32, #tpu.memory_space<vmem>>, vector<1x1x16xf32>,
        %get3A_270 = vector.shape_cast %get3A_269 : vector<1x1x16xf32> to vector<16xf32>
        %get3A_271 = arith.constant 1 : i32
        %get3A_272 = arith.constant 1 : i32
        %get3A_273 = arith.index_cast %get3A_271 : i32 to index
        %get3A_274 = arith.index_cast %get3A_272 : i32 to index
        %get3A_275 = arith.index_cast %mul3A_179 : i32 to index
        %get3A_276 = tpu.vector_load %arg11[%get3A_273, %get3A_274, %get3A_275] {strides = array<i32>} : memref<4x4x64xf32, #tpu.memory_space<vmem>>, vector<1x1x16xf32>,
        %get3A_277 = vector.shape_cast %get3A_276 : vector<1x1x16xf32> to vector<16xf32>
        %add3A_278 = arith.addf %get3A_270, %get3A_277 : vector<16xf32>
        %get3A_279 = arith.constant 2 : i32
        %get3A_280 = arith.constant 1 : i32
        %get3A_281 = arith.index_cast %get3A_279 : i32 to index
        %get3A_282 = arith.index_cast %get3A_280 : i32 to index
        %get3A_283 = arith.index_cast %mul3A_179 : i32 to index
        %get3A_284 = tpu.vector_load %arg11[%get3A_281, %get3A_282, %get3A_283] {strides = array<i32>} : memref<4x4x64xf32, #tpu.memory_space<vmem>>, vector<1x1x16xf32>,
        %get3A_285 = vector.shape_cast %get3A_284 : vector<1x1x16xf32> to vector<16xf32>
        %add3A_286 = arith.addf %add3A_278, %get3A_285 : vector<16xf32>
        %get3A_287 = arith.constant 3 : i32
        %get3A_288 = arith.constant 1 : i32
        %get3A_289 = arith.index_cast %get3A_287 : i32 to index
        %get3A_290 = arith.index_cast %get3A_288 : i32 to index
        %get3A_291 = arith.index_cast %mul3A_179 : i32 to index
        %get3A_292 = tpu.vector_load %arg11[%get3A_289, %get3A_290, %get3A_291] {strides = array<i32>} : memref<4x4x64xf32, #tpu.memory_space<vmem>>, vector<1x1x16xf32>,
        %get3A_293 = vector.shape_cast %get3A_292 : vector<1x1x16xf32> to vector<16xf32>
        %add3A_294 = arith.addf %add3A_286, %get3A_293 : vector<16xf32>
        %abs3A_295 = math.absf %get3A_263 : vector<16xf32>
        %neg3A_296 = arith.constant 0.000000e+00 : f32
        %neg3A_297 = vector.broadcast %neg3A_296 : f32 to vector<16xf32>
        %neg3A_298 = arith.subf %neg3A_297, %abs3A_295 : vector<16xf32>
        %exp3A_299 = math.exp %neg3A_298 : vector<16xf32>
        %max3A_300 = arith.constant 0.000000e+00 : f32
        %max3A_301 = vector.broadcast %max3A_300 : f32 to vector<16xf32>
        %max3A_302 = arith.maximumf %get3A_263, %max3A_301 : vector<16xf32>
        %mul3A_303 = arith.mulf %get3A_263, %add3A_294 : vector<16xf32>
        %sub3A_304 = arith.subf %max3A_302, %mul3A_303 : vector<16xf32>
        %mul3A_305 = arith.constant 0.0101190833 : f32
        %mul3A_306 = vector.broadcast %mul3A_305 : f32 to vector<16xf32>
        %mul3A_307 = arith.mulf %mul3A_306, %exp3A_299 : vector<16xf32>
        %add3A_308 = arith.constant -0.0526248515 : f32
        %add3A_309 = vector.broadcast %add3A_308 : f32 to vector<16xf32>
        %add3A_310 = arith.addf %mul3A_307, %add3A_309 : vector<16xf32>
        %mul3A_311 = arith.mulf %add3A_310, %exp3A_299 : vector<16xf32>
        %add3A_312 = arith.constant 0.130765036 : f32
        %add3A_313 = vector.broadcast %add3A_312 : f32 to vector<16xf32>
        %add3A_314 = arith.addf %mul3A_311, %add3A_313 : vector<16xf32>
        %mul3A_315 = arith.mulf %add3A_314, %exp3A_299 : vector<16xf32>
        %add3A_316 = arith.constant -0.222836256 : f32
        %add3A_317 = vector.broadcast %add3A_316 : f32 to vector<16xf32>
        %add3A_318 = arith.addf %mul3A_315, %add3A_317 : vector<16xf32>
        %mul3A_319 = arith.mulf %add3A_318, %exp3A_299 : vector<16xf32>
        %add3A_320 = arith.constant 0.32697311 : f32
        %add3A_321 = vector.broadcast %add3A_320 : f32 to vector<16xf32>
        %add3A_322 = arith.addf %mul3A_319, %add3A_321 : vector<16xf32>
        %mul3A_323 = arith.mulf %add3A_322, %exp3A_299 : vector<16xf32>
        %add3A_324 = arith.constant -0.499206573 : f32
        %add3A_325 = vector.broadcast %add3A_324 : f32 to vector<16xf32>
        %add3A_326 = arith.addf %mul3A_323, %add3A_325 : vector<16xf32>
        %mul3A_327 = arith.mulf %add3A_326, %exp3A_299 : vector<16xf32>
        %add3A_328 = arith.constant 0.999957501 : f32
        %add3A_329 = vector.broadcast %add3A_328 : f32 to vector<16xf32>
        %add3A_330 = arith.addf %mul3A_327, %add3A_329 : vector<16xf32>
        %mul3A_331 = arith.mulf %add3A_330, %exp3A_299 : vector<16xf32>
        %add3A_332 = arith.constant 5.62195908E-7 : f32
        %add3A_333 = vector.broadcast %add3A_332 : f32 to vector<16xf32>
        %add3A_334 = arith.addf %mul3A_331, %add3A_333 : vector<16xf32>
        %add3A_335 = arith.addf %sub3A_304, %add3A_334 : vector<16xf32>
        %jit3A_336 = arith.constant 0.000000e+00 : f32
        %broadcast_in_dim3A_337 = vector.broadcast %jit3A_336 : f32 to vector<16xf32>
        %select_n3A_338 = arith.select %gt3A_184, %add3A_335, %broadcast_in_dim3A_337 : vector<16xi1>, vector<16xf32>
        %add3A_339 = arith.addf %add3A_258, %select_n3A_338 : vector<16xf32>
        %get3A_340 = arith.constant 2 : i32
        %get3A_341 = arith.index_cast %get3A_340 : i32 to index
        %get3A_342 = arith.index_cast %mul3A_179 : i32 to index
        %get3A_343 = tpu.vector_load %arg10[%get3A_341, %get3A_342] {strides = array<i32>} : memref<4x64xf32, #tpu.memory_space<vmem>>, vector<1x16xf32>,
        %get3A_344 = vector.shape_cast %get3A_343 : vector<1x16xf32> to vector<16xf32>
        %get3A_345 = arith.constant 0 : i32
        %get3A_346 = arith.constant 2 : i32
        %get3A_347 = arith.index_cast %get3A_345 : i32 to index
        %get3A_348 = arith.index_cast %get3A_346 : i32 to index
        %get3A_349 = arith.index_cast %mul3A_179 : i32 to index
        %get3A_350 = tpu.vector_load %arg11[%get3A_347, %get3A_348, %get3A_349] {strides = array<i32>} : memref<4x4x64xf32, #tpu.memory_space<vmem>>, vector<1x1x16xf32>,
        %get3A_351 = vector.shape_cast %get3A_350 : vector<1x1x16xf32> to vector<16xf32>
        %get3A_352 = arith.constant 1 : i32
        %get3A_353 = arith.constant 2 : i32
        %get3A_354 = arith.index_cast %get3A_352 : i32 to index
        %get3A_355 = arith.index_cast %get3A_353 : i32 to index
        %get3A_356 = arith.index_cast %mul3A_179 : i32 to index
        %get3A_357 = tpu.vector_load %arg11[%get3A_354, %get3A_355, %get3A_356] {strides = array<i32>} : memref<4x4x64xf32, #tpu.memory_space<vmem>>, vector<1x1x16xf32>,
        %get3A_358 = vector.shape_cast %get3A_357 : vector<1x1x16xf32> to vector<16xf32>
        %add3A_359 = arith.addf %get3A_351, %get3A_358 : vector<16xf32>
        %get3A_360 = arith.constant 2 : i32
        %get3A_361 = arith.constant 2 : i32
        %get3A_362 = arith.index_cast %get3A_360 : i32 to index
        %get3A_363 = arith.index_cast %get3A_361 : i32 to index
        %get3A_364 = arith.index_cast %mul3A_179 : i32 to index
        %get3A_365 = tpu.vector_load %arg11[%get3A_362, %get3A_363, %get3A_364] {strides = array<i32>} : memref<4x4x64xf32, #tpu.memory_space<vmem>>, vector<1x1x16xf32>,
        %get3A_366 = vector.shape_cast %get3A_365 : vector<1x1x16xf32> to vector<16xf32>
        %add3A_367 = arith.addf %add3A_359, %get3A_366 : vector<16xf32>
        %get3A_368 = arith.constant 3 : i32
        %get3A_369 = arith.constant 2 : i32
        %get3A_370 = arith.index_cast %get3A_368 : i32 to index
        %get3A_371 = arith.index_cast %get3A_369 : i32 to index
        %get3A_372 = arith.index_cast %mul3A_179 : i32 to index
        %get3A_373 = tpu.vector_load %arg11[%get3A_370, %get3A_371, %get3A_372] {strides = array<i32>} : memref<4x4x64xf32, #tpu.memory_space<vmem>>, vector<1x1x16xf32>,
        %get3A_374 = vector.shape_cast %get3A_373 : vector<1x1x16xf32> to vector<16xf32>
        %add3A_375 = arith.addf %add3A_367, %get3A_374 : vector<16xf32>
        %abs3A_376 = math.absf %get3A_344 : vector<16xf32>
        %neg3A_377 = arith.constant 0.000000e+00 : f32
        %neg3A_378 = vector.broadcast %neg3A_377 : f32 to vector<16xf32>
        %neg3A_379 = arith.subf %neg3A_378, %abs3A_376 : vector<16xf32>
        %exp3A_380 = math.exp %neg3A_379 : vector<16xf32>
        %max3A_381 = arith.constant 0.000000e+00 : f32
        %max3A_382 = vector.broadcast %max3A_381 : f32 to vector<16xf32>
        %max3A_383 = arith.maximumf %get3A_344, %max3A_382 : vector<16xf32>
        %mul3A_384 = arith.mulf %get3A_344, %add3A_375 : vector<16xf32>
        %sub3A_385 = arith.subf %max3A_383, %mul3A_384 : vector<16xf32>
        %mul3A_386 = arith.constant 0.0101190833 : f32
        %mul3A_387 = vector.broadcast %mul3A_386 : f32 to vector<16xf32>
        %mul3A_388 = arith.mulf %mul3A_387, %exp3A_380 : vector<16xf32>
        %add3A_389 = arith.constant -0.0526248515 : f32
        %add3A_390 = vector.broadcast %add3A_389 : f32 to vector<16xf32>
        %add3A_391 = arith.addf %mul3A_388, %add3A_390 : vector<16xf32>
        %mul3A_392 = arith.mulf %add3A_391, %exp3A_380 : vector<16xf32>
        %add3A_393 = arith.constant 0.130765036 : f32
        %add3A_394 = vector.broadcast %add3A_393 : f32 to vector<16xf32>
        %add3A_395 = arith.addf %mul3A_392, %add3A_394 : vector<16xf32>
        %mul3A_396 = arith.mulf %add3A_395, %exp3A_380 : vector<16xf32>
        %add3A_397 = arith.constant -0.222836256 : f32
        %add3A_398 = vector.broadcast %add3A_397 : f32 to vector<16xf32>
        %add3A_399 = arith.addf %mul3A_396, %add3A_398 : vector<16xf32>
        %mul3A_400 = arith.mulf %add3A_399, %exp3A_380 : vector<16xf32>
        %add3A_401 = arith.constant 0.32697311 : f32
        %add3A_402 = vector.broadcast %add3A_401 : f32 to vector<16xf32>
        %add3A_403 = arith.addf %mul3A_400, %add3A_402 : vector<16xf32>
        %mul3A_404 = arith.mulf %add3A_403, %exp3A_380 : vector<16xf32>
        %add3A_405 = arith.constant -0.499206573 : f32
        %add3A_406 = vector.broadcast %add3A_405 : f32 to vector<16xf32>
        %add3A_407 = arith.addf %mul3A_404, %add3A_406 : vector<16xf32>
        %mul3A_408 = arith.mulf %add3A_407, %exp3A_380 : vector<16xf32>
        %add3A_409 = arith.constant 0.999957501 : f32
        %add3A_410 = vector.broadcast %add3A_409 : f32 to vector<16xf32>
        %add3A_411 = arith.addf %mul3A_408, %add3A_410 : vector<16xf32>
        %mul3A_412 = arith.mulf %add3A_411, %exp3A_380 : vector<16xf32>
        %add3A_413 = arith.constant 5.62195908E-7 : f32
        %add3A_414 = vector.broadcast %add3A_413 : f32 to vector<16xf32>
        %add3A_415 = arith.addf %mul3A_412, %add3A_414 : vector<16xf32>
        %add3A_416 = arith.addf %sub3A_385, %add3A_415 : vector<16xf32>
        %jit3A_417 = arith.constant 0.000000e+00 : f32
        %broadcast_in_dim3A_418 = vector.broadcast %jit3A_417 : f32 to vector<16xf32>
        %select_n3A_419 = arith.select %gt3A_184, %add3A_416, %broadcast_in_dim3A_418 : vector<16xi1>, vector<16xf32>
        %add3A_420 = arith.addf %add3A_339, %select_n3A_419 : vector<16xf32>
        %get3A_421 = arith.constant 3 : i32
        %get3A_422 = arith.index_cast %get3A_421 : i32 to index
        %get3A_423 = arith.index_cast %mul3A_179 : i32 to index
        %get3A_424 = tpu.vector_load %arg10[%get3A_422, %get3A_423] {strides = array<i32>} : memref<4x64xf32, #tpu.memory_space<vmem>>, vector<1x16xf32>,
        %get3A_425 = vector.shape_cast %get3A_424 : vector<1x16xf32> to vector<16xf32>
        %get3A_426 = arith.constant 0 : i32
        %get3A_427 = arith.constant 3 : i32
        %get3A_428 = arith.index_cast %get3A_426 : i32 to index
        %get3A_429 = arith.index_cast %get3A_427 : i32 to index
        %get3A_430 = arith.index_cast %mul3A_179 : i32 to index
        %get3A_431 = tpu.vector_load %arg11[%get3A_428, %get3A_429, %get3A_430] {strides = array<i32>} : memref<4x4x64xf32, #tpu.memory_space<vmem>>, vector<1x1x16xf32>,
        %get3A_432 = vector.shape_cast %get3A_431 : vector<1x1x16xf32> to vector<16xf32>
        %get3A_433 = arith.constant 1 : i32
        %get3A_434 = arith.constant 3 : i32
        %get3A_435 = arith.index_cast %get3A_433 : i32 to index
        %get3A_436 = arith.index_cast %get3A_434 : i32 to index
        %get3A_437 = arith.index_cast %mul3A_179 : i32 to index
        %get3A_438 = tpu.vector_load %arg11[%get3A_435, %get3A_436, %get3A_437] {strides = array<i32>} : memref<4x4x64xf32, #tpu.memory_space<vmem>>, vector<1x1x16xf32>,
        %get3A_439 = vector.shape_cast %get3A_438 : vector<1x1x16xf32> to vector<16xf32>
        %add3A_440 = arith.addf %get3A_432, %get3A_439 : vector<16xf32>
        %get3A_441 = arith.constant 2 : i32
        %get3A_442 = arith.constant 3 : i32
        %get3A_443 = arith.index_cast %get3A_441 : i32 to index
        %get3A_444 = arith.index_cast %get3A_442 : i32 to index
        %get3A_445 = arith.index_cast %mul3A_179 : i32 to index
        %get3A_446 = tpu.vector_load %arg11[%get3A_443, %get3A_444, %get3A_445] {strides = array<i32>} : memref<4x4x64xf32, #tpu.memory_space<vmem>>, vector<1x1x16xf32>,
        %get3A_447 = vector.shape_cast %get3A_446 : vector<1x1x16xf32> to vector<16xf32>
        %add3A_448 = arith.addf %add3A_440, %get3A_447 : vector<16xf32>
        %get3A_449 = arith.constant 3 : i32
        %get3A_450 = arith.constant 3 : i32
        %get3A_451 = arith.index_cast %get3A_449 : i32 to index
        %get3A_452 = arith.index_cast %get3A_450 : i32 to index
        %get3A_453 = arith.index_cast %mul3A_179 : i32 to index
        %get3A_454 = tpu.vector_load %arg11[%get3A_451, %get3A_452, %get3A_453] {strides = array<i32>} : memref<4x4x64xf32, #tpu.memory_space<vmem>>, vector<1x1x16xf32>,
        %get3A_455 = vector.shape_cast %get3A_454 : vector<1x1x16xf32> to vector<16xf32>
        %add3A_456 = arith.addf %add3A_448, %get3A_455 : vector<16xf32>
        %abs3A_457 = math.absf %get3A_425 : vector<16xf32>
        %neg3A_458 = arith.constant 0.000000e+00 : f32
        %neg3A_459 = vector.broadcast %neg3A_458 : f32 to vector<16xf32>
        %neg3A_460 = arith.subf %neg3A_459, %abs3A_457 : vector<16xf32>
        %exp3A_461 = math.exp %neg3A_460 : vector<16xf32>
        %max3A_462 = arith.constant 0.000000e+00 : f32
        %max3A_463 = vector.broadcast %max3A_462 : f32 to vector<16xf32>
        %max3A_464 = arith.maximumf %get3A_425, %max3A_463 : vector<16xf32>
        %mul3A_465 = arith.mulf %get3A_425, %add3A_456 : vector<16xf32>
        %sub3A_466 = arith.subf %max3A_464, %mul3A_465 : vector<16xf32>
        %mul3A_467 = arith.constant 0.0101190833 : f32
        %mul3A_468 = vector.broadcast %mul3A_467 : f32 to vector<16xf32>
        %mul3A_469 = arith.mulf %mul3A_468, %exp3A_461 : vector<16xf32>
        %add3A_470 = arith.constant -0.0526248515 : f32
        %add3A_471 = vector.broadcast %add3A_470 : f32 to vector<16xf32>
        %add3A_472 = arith.addf %mul3A_469, %add3A_471 : vector<16xf32>
        %mul3A_473 = arith.mulf %add3A_472, %exp3A_461 : vector<16xf32>
        %add3A_474 = arith.constant 0.130765036 : f32
        %add3A_475 = vector.broadcast %add3A_474 : f32 to vector<16xf32>
        %add3A_476 = arith.addf %mul3A_473, %add3A_475 : vector<16xf32>
        %mul3A_477 = arith.mulf %add3A_476, %exp3A_461 : vector<16xf32>
        %add3A_478 = arith.constant -0.222836256 : f32
        %add3A_479 = vector.broadcast %add3A_478 : f32 to vector<16xf32>
        %add3A_480 = arith.addf %mul3A_477, %add3A_479 : vector<16xf32>
        %mul3A_481 = arith.mulf %add3A_480, %exp3A_461 : vector<16xf32>
        %add3A_482 = arith.constant 0.32697311 : f32
        %add3A_483 = vector.broadcast %add3A_482 : f32 to vector<16xf32>
        %add3A_484 = arith.addf %mul3A_481, %add3A_483 : vector<16xf32>
        %mul3A_485 = arith.mulf %add3A_484, %exp3A_461 : vector<16xf32>
        %add3A_486 = arith.constant -0.499206573 : f32
        %add3A_487 = vector.broadcast %add3A_486 : f32 to vector<16xf32>
        %add3A_488 = arith.addf %mul3A_485, %add3A_487 : vector<16xf32>
        %mul3A_489 = arith.mulf %add3A_488, %exp3A_461 : vector<16xf32>
        %add3A_490 = arith.constant 0.999957501 : f32
        %add3A_491 = vector.broadcast %add3A_490 : f32 to vector<16xf32>
        %add3A_492 = arith.addf %mul3A_489, %add3A_491 : vector<16xf32>
        %mul3A_493 = arith.mulf %add3A_492, %exp3A_461 : vector<16xf32>
        %add3A_494 = arith.constant 5.62195908E-7 : f32
        %add3A_495 = vector.broadcast %add3A_494 : f32 to vector<16xf32>
        %add3A_496 = arith.addf %mul3A_493, %add3A_495 : vector<16xf32>
        %add3A_497 = arith.addf %sub3A_466, %add3A_496 : vector<16xf32>
        %jit3A_498 = arith.constant 0.000000e+00 : f32
        %broadcast_in_dim3A_499 = vector.broadcast %jit3A_498 : f32 to vector<16xf32>
        %select_n3A_500 = arith.select %gt3A_184, %add3A_497, %broadcast_in_dim3A_499 : vector<16xi1>, vector<16xf32>
        %add3A_501 = arith.addf %add3A_420, %select_n3A_500 : vector<16xf32>
        scf.yield %add3A_501 : vector<16xf32>
      }
      %scan3A_171 = arith.constant 4 : i32
      %swap3A_172 = arith.constant 0 : index
      %swap3A_173 = tpu.vector_load %arg12[%swap3A_172] {strides = array<i32>} : memref<16xf32, #tpu.memory_space<vmem>>, vector<16xf32>,
      %swap3A_174 = vector.shape_cast %swap3A_173 : vector<16xf32> to vector<16xf32>
      %swap3A_175 = vector.shape_cast %scan3A_170 : vector<16xf32> to vector<16xf32>
      tpu.vector_store %arg12[%swap3A_172], %swap3A_175 {strides = array<i32>} : memref<16xf32, #tpu.memory_space<vmem>>, vector<16xf32>,
    } else {
    }
    "tpu.region"() ({
      %run_scoped3A = tpu.sem_alloc : memref<!tpu.dma_semaphore, #tpu.memory_space<semaphore_mem>>
      %dma_start3A_157 = arith.constant 0 : i32
      %dma_start3A_158 = tpu.memref_slice %arg5[%add3A, %dma_start3A_157] : memref<32x16xf32, #tpu.memory_space<hbm>> -> memref<1x16xf32, #tpu.memory_space<hbm>>
      %dma_start3A_159 = tpu.memref_squeeze %dma_start3A_158 : memref<1x16xf32, #tpu.memory_space<hbm>> -> memref<16xf32, #tpu.memory_space<hbm>>
      %dma_start3A_160 = arith.constant 0 : i32
      %dma_start3A_161 = tpu.memref_slice %arg5[%add3A, %dma_start3A_160] : memref<32x16xf32, #tpu.memory_space<hbm>> -> memref<1x16xf32, #tpu.memory_space<hbm>>
      %dma_start3A_162 = tpu.memref_squeeze %dma_start3A_161 : memref<1x16xf32, #tpu.memory_space<hbm>> -> memref<16xf32, #tpu.memory_space<hbm>>
      tpu.enqueue_dma source(%arg12 : memref<16xf32, #tpu.memory_space<vmem>>) target(%dma_start3A_162 : memref<16xf32, #tpu.memory_space<hbm>>) target_semaphore(%run_scoped3A : memref<!tpu.dma_semaphore, #tpu.memory_space<semaphore_mem>>)
      %dma_wait3A_163 = arith.constant 0 : i32
      %dma_wait3A_164 = tpu.memref_slice %arg5[%add3A, %dma_wait3A_163] : memref<32x16xf32, #tpu.memory_space<hbm>> -> memref<1x16xf32, #tpu.memory_space<hbm>>
      %dma_wait3A_165 = tpu.memref_squeeze %dma_wait3A_164 : memref<1x16xf32, #tpu.memory_space<hbm>> -> memref<16xf32, #tpu.memory_space<hbm>>
      %dma_wait3A_166 = arith.constant 0 : i32
      %dma_wait3A_167 = tpu.memref_slice %arg5[%add3A, %dma_wait3A_166] : memref<32x16xf32, #tpu.memory_space<hbm>> -> memref<1x16xf32, #tpu.memory_space<hbm>>
      %dma_wait3A_168 = tpu.memref_squeeze %dma_wait3A_167 : memref<1x16xf32, #tpu.memory_space<hbm>> -> memref<16xf32, #tpu.memory_space<hbm>>
      tpu.wait_dma2 semaphore(%run_scoped3A : memref<!tpu.dma_semaphore, #tpu.memory_space<semaphore_mem>>) src(%arg12 : memref<16xf32, #tpu.memory_space<vmem>>) dst(%dma_wait3A_168 : memref<16xf32, #tpu.memory_space<hbm>>)
      tpu.yield
    }) : () -> ()
    return
  }
}

module attributes {stable_mosaic.version = 14 : i64} {
  func.func @_tc_kernel(%arg0: i32, %arg1: memref<64x376xf32, #tpu.memory_space<vmem>>, %arg2: memref<4x64x376xf32, #tpu.memory_space<vmem>>, %arg3: memref<24576xf32, #tpu.memory_space<vmem>>, %arg4: memref<8x24576xf32, #tpu.memory_space<vmem>>, %arg5: memref<4x8x24576xf32, #tpu.memory_space<vmem>>, %arg6: memref<4xf32, #tpu.memory_space<smem>>) attributes {dimension_semantics = [#tpu.dimension_semantics<arbitrary>], iteration_bounds = array<i64: 6>, scalar_prefetch = 0 : i64, scratch_operands = 0 : i64, tpu.core_type = #tpu.core_type<tc>, window_params = [{transform_indices = @transform_0, window_bounds = array<i64: 64, 376>}, {transform_indices = @transform_1, window_bounds = array<i64: 4, 64, 376>}, {transform_indices = @transform_2, window_bounds = array<i64: 24576>}, {transform_indices = @transform_3, window_bounds = array<i64: 8, 24576>}, {transform_indices = @transform_4, window_bounds = array<i64: 4, 8, 24576>}, {transform_indices = @transform_5, window_bounds = array<i64: 4>}]} {
    %eq3A = arith.constant 0 : i32
    %eq3A_0 = arith.cmpi eq, %arg0, %eq3A : i32
    %convert_element_type3A = arith.extui %eq3A_0 : i1 to i32
    %cond3A = arith.constant 0 : i32
    %cond3A_1 = arith.cmpi ne, %convert_element_type3A, %cond3A : i32
    scf.if %cond3A_1 {
      %swap3A_164 = arith.constant 0.000000e+00 : f32
      %swap3A_165 = arith.constant 0 : index
      %swap3A_166 = memref.load %arg6[%swap3A_165] : memref<4xf32, #tpu.memory_space<smem>>
      memref.store %swap3A_164, %arg6[%swap3A_165] : memref<4xf32, #tpu.memory_space<smem>>
      %swap3A_167 = arith.constant 0.000000e+00 : f32
      %swap3A_168 = arith.constant 1 : index
      %swap3A_169 = memref.load %arg6[%swap3A_168] : memref<4xf32, #tpu.memory_space<smem>>
      memref.store %swap3A_167, %arg6[%swap3A_168] : memref<4xf32, #tpu.memory_space<smem>>
      %swap3A_170 = arith.constant 0.000000e+00 : f32
      %swap3A_171 = arith.constant 2 : index
      %swap3A_172 = memref.load %arg6[%swap3A_171] : memref<4xf32, #tpu.memory_space<smem>>
      memref.store %swap3A_170, %arg6[%swap3A_171] : memref<4xf32, #tpu.memory_space<smem>>
      %swap3A_173 = arith.constant 0.000000e+00 : f32
      %swap3A_174 = arith.constant 3 : index
      %swap3A_175 = memref.load %arg6[%swap3A_174] : memref<4xf32, #tpu.memory_space<smem>>
      memref.store %swap3A_173, %arg6[%swap3A_174] : memref<4xf32, #tpu.memory_space<smem>>
    } else {
    }
    %get3A = arith.constant 0 : index
    %get3A_2 = arith.constant 0 : index
    %get3A_3 = vector.load %arg1[%get3A, %get3A_2] : memref<64x376xf32, #tpu.memory_space<vmem>>, vector<64x376xf32>
    %iota3A = tpu.iota {dimensions = array<i32: 0>} : vector<64x376xi32>
    %mul3A = arith.constant 64 : i32
    %mul3A_4 = arith.muli %arg0, %mul3A : i32
    %add3A = vector.broadcast %mul3A_4 : i32 to vector<64x376xi32>
    %add3A_5 = arith.addi %iota3A, %add3A : vector<64x376xi32>
    %lt3A = arith.constant 376 : i32
    %lt3A_6 = vector.broadcast %lt3A : i32 to vector<64x376xi32>
    %lt3A_7 = arith.cmpi slt, %add3A_5, %lt3A_6 : vector<64x376xi32>
    %gt3A = arith.constant 0.000000e+00 : f32
    %gt3A_8 = vector.broadcast %gt3A : f32 to vector<64x376xf32>
    %gt3A_9 = arith.cmpf ogt, %get3A_3, %gt3A_8 : vector<64x376xf32>
    %and3A = arith.andi %gt3A_9, %lt3A_7 : vector<64x376xi1>
    %eq3A_10 = arith.constant 0.000000e+00 : f32
    %eq3A_11 = vector.broadcast %eq3A_10 : f32 to vector<64x376xf32>
    %eq3A_12 = arith.cmpf oeq, %get3A_3, %eq3A_11 : vector<64x376xf32>
    %and3A_13 = arith.andi %eq3A_12, %lt3A_7 : vector<64x376xi1>
    %or3A = arith.ori %and3A, %and3A_13 : vector<64x376xi1>
    %convert_element_type3A_14 = arith.extui %or3A : vector<64x376xi1> to vector<64x376xi32>
    %convert_element_type3A_15 = arith.sitofp %convert_element_type3A_14 : vector<64x376xi32> to vector<64x376xf32>
    %reduce_sum3A = vector.shape_cast %convert_element_type3A_15 : vector<64x376xf32> to vector<1x64x376xf32>
    %reduce_sum3A_16 = arith.constant dense<0.000000e+00> : vector<1xf32>
    %reduce_sum3A_17 = vector.multi_reduction <add>, %reduce_sum3A, %reduce_sum3A_16 [1, 2] : vector<1x64x376xf32> to vector<1xf32>
    %reduce_sum3A_18 = vector.shape_cast %reduce_sum3A_17 : vector<1xf32> to vector<1x1x1xf32>
    %reduce_sum3A_19 = vector.extract %reduce_sum3A_18[0, 0, 0] : f32 from vector<1x1x1xf32>
    %convert_element_type3A_20 = arith.extui %and3A : vector<64x376xi1> to vector<64x376xi32>
    %convert_element_type3A_21 = arith.sitofp %convert_element_type3A_20 : vector<64x376xi32> to vector<64x376xf32>
    %reduce_sum3A_22 = vector.shape_cast %convert_element_type3A_21 : vector<64x376xf32> to vector<1x64x376xf32>
    %reduce_sum3A_23 = arith.constant dense<0.000000e+00> : vector<1xf32>
    %reduce_sum3A_24 = vector.multi_reduction <add>, %reduce_sum3A_22, %reduce_sum3A_23 [1, 2] : vector<1x64x376xf32> to vector<1xf32>
    %reduce_sum3A_25 = vector.shape_cast %reduce_sum3A_24 : vector<1xf32> to vector<1x1x1xf32>
    %reduce_sum3A_26 = vector.extract %reduce_sum3A_25[0, 0, 0] : f32 from vector<1x1x1xf32>
    %get3A_27 = arith.constant 0 : index
    %get3A_28 = arith.constant 0 : index
    %get3A_29 = arith.constant 0 : index
    %get3A_30 = vector.load %arg2[%get3A_27, %get3A_28, %get3A_29] : memref<4x64x376xf32, #tpu.memory_space<vmem>>, vector<4x64x376xf32>
    %broadcast_in_dim3A = vector.shape_cast %get3A_3 : vector<64x376xf32> to vector<1x64x376xf32>
    %abs3A = math.absf %get3A_30 : vector<4x64x376xf32>
    %neg3A = arith.constant 0.000000e+00 : f32
    %neg3A_31 = vector.broadcast %neg3A : f32 to vector<4x64x376xf32>
    %neg3A_32 = arith.subf %neg3A_31, %abs3A : vector<4x64x376xf32>
    %exp3A = math.exp %neg3A_32 : vector<4x64x376xf32>
    %ge3A = arith.constant 0.000000e+00 : f32
    %ge3A_33 = vector.broadcast %ge3A : f32 to vector<4x64x376xf32>
    %ge3A_34 = arith.cmpf oge, %get3A_30, %ge3A_33 : vector<4x64x376xf32>
    %add3A_35 = arith.constant 1.000000e+00 : f32
    %add3A_36 = vector.broadcast %add3A_35 : f32 to vector<4x64x376xf32>
    %add3A_37 = arith.addf %add3A_36, %exp3A : vector<4x64x376xf32>
    %div3A = arith.constant 1.000000e+00 : f32
    %div3A_38 = vector.broadcast %div3A : f32 to vector<4x64x376xf32>
    %div3A_39 = arith.divf %div3A_38, %add3A_37 : vector<4x64x376xf32>
    %add3A_40 = arith.constant 1.000000e+00 : f32
    %add3A_41 = vector.broadcast %add3A_40 : f32 to vector<4x64x376xf32>
    %add3A_42 = arith.addf %add3A_41, %exp3A : vector<4x64x376xf32>
    %div3A_43 = arith.divf %exp3A, %add3A_42 : vector<4x64x376xf32>
    %select_n3A = arith.select %ge3A_34, %div3A_39, %div3A_43 : vector<4x64x376xi1>, vector<4x64x376xf32>
    %max3A = arith.constant 0.000000e+00 : f32
    %max3A_44 = vector.broadcast %max3A : f32 to vector<4x64x376xf32>
    %max3A_45 = arith.maximumf %get3A_30, %max3A_44 : vector<4x64x376xf32>
    %mul3A_46 = vector.broadcast %broadcast_in_dim3A : vector<1x64x376xf32> to vector<4x64x376xf32>
    %mul3A_47 = arith.mulf %get3A_30, %mul3A_46 : vector<4x64x376xf32>
    %sub3A = arith.subf %max3A_45, %mul3A_47 : vector<4x64x376xf32>
    %add3A_48 = arith.constant 1.000000e+00 : f32
    %add3A_49 = vector.broadcast %add3A_48 : f32 to vector<4x64x376xf32>
    %add3A_50 = arith.addf %add3A_49, %exp3A : vector<4x64x376xf32>
    %log3A = math.log %add3A_50 : vector<4x64x376xf32>
    %add3A_51 = arith.addf %sub3A, %log3A : vector<4x64x376xf32>
    %mul3A_52 = vector.broadcast %broadcast_in_dim3A : vector<1x64x376xf32> to vector<4x64x376xf32>
    %mul3A_53 = arith.mulf %select_n3A, %mul3A_52 : vector<4x64x376xf32>
    %sub3A_54 = arith.constant 1.000000e+00 : f32
    %sub3A_55 = vector.broadcast %sub3A_54 : f32 to vector<4x64x376xf32>
    %sub3A_56 = arith.subf %sub3A_55, %select_n3A : vector<4x64x376xf32>
    %sub3A_57 = arith.constant 1.000000e+00 : f32
    %sub3A_58 = vector.broadcast %sub3A_57 : f32 to vector<1x64x376xf32>
    %sub3A_59 = arith.subf %sub3A_58, %broadcast_in_dim3A : vector<1x64x376xf32>
    %mul3A_60 = vector.broadcast %sub3A_59 : vector<1x64x376xf32> to vector<4x64x376xf32>
    %mul3A_61 = arith.mulf %sub3A_56, %mul3A_60 : vector<4x64x376xf32>
    %add3A_62 = arith.addf %mul3A_53, %mul3A_61 : vector<4x64x376xf32>
    %mul3A_63 = arith.constant 2.500000e-01 : f32
    %mul3A_64 = vector.broadcast %mul3A_63 : f32 to vector<1x64x376xf32>
    %mul3A_65 = arith.mulf %mul3A_64, %broadcast_in_dim3A : vector<1x64x376xf32>
    %sub3A_66 = arith.constant 1.000000e+00 : f32
    %sub3A_67 = vector.broadcast %sub3A_66 : f32 to vector<1x64x376xf32>
    %sub3A_68 = arith.subf %sub3A_67, %broadcast_in_dim3A : vector<1x64x376xf32>
    %mul3A_69 = arith.constant 7.500000e-01 : f32
    %mul3A_70 = vector.broadcast %mul3A_69 : f32 to vector<1x64x376xf32>
    %mul3A_71 = arith.mulf %mul3A_70, %sub3A_68 : vector<1x64x376xf32>
    %add3A_72 = arith.addf %mul3A_65, %mul3A_71 : vector<1x64x376xf32>
    %sub3A_73 = arith.constant 1.000000e+00 : f32
    %sub3A_74 = vector.broadcast %sub3A_73 : f32 to vector<4x64x376xf32>
    %sub3A_75 = arith.subf %sub3A_74, %add3A_62 : vector<4x64x376xf32>
    %mul3A_76 = vector.broadcast %add3A_72 : vector<1x64x376xf32> to vector<4x64x376xf32>
    %mul3A_77 = arith.mulf %mul3A_76, %sub3A_75 : vector<4x64x376xf32>
    %mul3A_78 = arith.mulf %mul3A_77, %sub3A_75 : vector<4x64x376xf32>
    %mul3A_79 = arith.mulf %mul3A_78, %add3A_51 : vector<4x64x376xf32>
    %broadcast_in_dim3A_80 = vector.shape_cast %or3A : vector<64x376xi1> to vector<1x64x376xi1>
    %jit3A = arith.constant 0.000000e+00 : f32
    %broadcast_in_dim3A_81 = vector.shape_cast %broadcast_in_dim3A_80 : vector<1x64x376xi1> to vector<1x64x376xi1>
    %broadcast_in_dim3A_82 = vector.broadcast %broadcast_in_dim3A_81 : vector<1x64x376xi1> to vector<4x64x376xi1>
    %broadcast_in_dim3A_83 = vector.broadcast %jit3A : f32 to vector<4x64x376xf32>
    %select_n3A_84 = arith.select %broadcast_in_dim3A_82, %mul3A_79, %broadcast_in_dim3A_83 : vector<4x64x376xi1>, vector<4x64x376xf32>
    %reduce_sum3A_85 = vector.shape_cast %select_n3A_84 : vector<4x64x376xf32> to vector<1x4x64x376xf32>
    %reduce_sum3A_86 = arith.constant dense<0.000000e+00> : vector<1xf32>
    %reduce_sum3A_87 = vector.multi_reduction <add>, %reduce_sum3A_85, %reduce_sum3A_86 [1, 2, 3] : vector<1x4x64x376xf32> to vector<1xf32>
    %reduce_sum3A_88 = vector.shape_cast %reduce_sum3A_87 : vector<1xf32> to vector<1x1x1x1xf32>
    %reduce_sum3A_89 = vector.extract %reduce_sum3A_88[0, 0, 0, 0] : f32 from vector<1x1x1x1xf32>
    %get3A_90 = arith.constant 0 : index
    %get3A_91 = vector.load %arg3[%get3A_90] : memref<24576xf32, #tpu.memory_space<vmem>>, vector<24576xf32>
    %iota3A_92 = tpu.iota {dimensions = array<i32: 1>} : vector<1x24576xi32>
    %iota3A_93 = vector.shape_cast %iota3A_92 : vector<1x24576xi32> to vector<24576xi32>
    %mul3A_94 = arith.constant 24576 : i32
    %mul3A_95 = arith.muli %arg0, %mul3A_94 : i32
    %add3A_96 = vector.broadcast %mul3A_95 : i32 to vector<24576xi32>
    %add3A_97 = arith.addi %iota3A_93, %add3A_96 : vector<24576xi32>
    %lt3A_98 = arith.constant 141376 : i32
    %lt3A_99 = vector.broadcast %lt3A_98 : i32 to vector<24576xi32>
    %lt3A_100 = arith.cmpi slt, %add3A_97, %lt3A_99 : vector<24576xi32>
    %gt3A_101 = arith.constant 0.000000e+00 : f32
    %gt3A_102 = vector.broadcast %gt3A_101 : f32 to vector<24576xf32>
    %gt3A_103 = arith.cmpf ogt, %get3A_91, %gt3A_102 : vector<24576xf32>
    %and3A_104 = arith.andi %gt3A_103, %lt3A_100 : vector<24576xi1>
    %broadcast_in_dim3A_105 = vector.shape_cast %and3A_104 : vector<24576xi1> to vector<1x24576xi1>
    %get3A_106 = arith.constant 0 : index
    %get3A_107 = arith.constant 0 : index
    %get3A_108 = arith.constant 0 : index
    %get3A_109 = vector.load %arg5[%get3A_106, %get3A_107, %get3A_108] : memref<4x8x24576xf32, #tpu.memory_space<vmem>>, vector<4x8x24576xf32>
    %slice3A = vector.extract_strided_slice %get3A_109 {offsets = [0, 0, 0], sizes = [1, 8, 24576], strides = [1, 1, 1]} : vector<4x8x24576xf32> to vector<1x8x24576xf32>
    %squeeze3A = vector.shape_cast %slice3A : vector<1x8x24576xf32> to vector<8x24576xf32>
    %slice3A_110 = vector.extract_strided_slice %get3A_109 {offsets = [1, 0, 0], sizes = [1, 8, 24576], strides = [1, 1, 1]} : vector<4x8x24576xf32> to vector<1x8x24576xf32>
    %squeeze3A_111 = vector.shape_cast %slice3A_110 : vector<1x8x24576xf32> to vector<8x24576xf32>
    %add3A_112 = arith.addf %squeeze3A, %squeeze3A_111 : vector<8x24576xf32>
    %slice3A_113 = vector.extract_strided_slice %get3A_109 {offsets = [2, 0, 0], sizes = [1, 8, 24576], strides = [1, 1, 1]} : vector<4x8x24576xf32> to vector<1x8x24576xf32>
    %squeeze3A_114 = vector.shape_cast %slice3A_113 : vector<1x8x24576xf32> to vector<8x24576xf32>
    %add3A_115 = arith.addf %add3A_112, %squeeze3A_114 : vector<8x24576xf32>
    %slice3A_116 = vector.extract_strided_slice %get3A_109 {offsets = [3, 0, 0], sizes = [1, 8, 24576], strides = [1, 1, 1]} : vector<4x8x24576xf32> to vector<1x8x24576xf32>
    %squeeze3A_117 = vector.shape_cast %slice3A_116 : vector<1x8x24576xf32> to vector<8x24576xf32>
    %add3A_118 = arith.addf %add3A_115, %squeeze3A_117 : vector<8x24576xf32>
    %get3A_119 = arith.constant 0 : index
    %get3A_120 = arith.constant 0 : index
    %get3A_121 = vector.load %arg4[%get3A_119, %get3A_120] : memref<8x24576xf32, #tpu.memory_space<vmem>>, vector<8x24576xf32>
    %sub3A_122 = arith.subf %get3A_121, %add3A_118 : vector<8x24576xf32>
    %abs3A_123 = math.absf %sub3A_122 : vector<8x24576xf32>
    %lt3A_124 = arith.constant 1.000000e+00 : f32
    %lt3A_125 = vector.broadcast %lt3A_124 : f32 to vector<8x24576xf32>
    %lt3A_126 = arith.cmpf olt, %abs3A_123, %lt3A_125 : vector<8x24576xf32>
    %mul3A_127 = arith.constant 5.000000e-01 : f32
    %mul3A_128 = vector.broadcast %mul3A_127 : f32 to vector<8x24576xf32>
    %mul3A_129 = arith.mulf %mul3A_128, %sub3A_122 : vector<8x24576xf32>
    %mul3A_130 = arith.mulf %mul3A_129, %sub3A_122 : vector<8x24576xf32>
    %sub3A_131 = arith.constant 5.000000e-01 : f32
    %sub3A_132 = vector.broadcast %sub3A_131 : f32 to vector<8x24576xf32>
    %sub3A_133 = arith.subf %abs3A_123, %sub3A_132 : vector<8x24576xf32>
    %select_n3A_134 = arith.select %lt3A_126, %mul3A_130, %sub3A_133 : vector<8x24576xi1>, vector<8x24576xf32>
    %jit3A_135 = arith.constant 0.000000e+00 : f32
    %broadcast_in_dim3A_136 = vector.shape_cast %broadcast_in_dim3A_105 : vector<1x24576xi1> to vector<1x24576xi1>
    %broadcast_in_dim3A_137 = vector.broadcast %broadcast_in_dim3A_136 : vector<1x24576xi1> to vector<8x24576xi1>
    %broadcast_in_dim3A_138 = vector.broadcast %jit3A_135 : f32 to vector<8x24576xf32>
    %select_n3A_139 = arith.select %broadcast_in_dim3A_137, %select_n3A_134, %broadcast_in_dim3A_138 : vector<8x24576xi1>, vector<8x24576xf32>
    %reduce_sum3A_140 = vector.shape_cast %select_n3A_139 : vector<8x24576xf32> to vector<1x8x24576xf32>
    %reduce_sum3A_141 = arith.constant dense<0.000000e+00> : vector<1xf32>
    %reduce_sum3A_142 = vector.multi_reduction <add>, %reduce_sum3A_140, %reduce_sum3A_141 [1, 2] : vector<1x8x24576xf32> to vector<1xf32>
    %reduce_sum3A_143 = vector.shape_cast %reduce_sum3A_142 : vector<1xf32> to vector<1x1x1xf32>
    %reduce_sum3A_144 = vector.extract %reduce_sum3A_143[0, 0, 0] : f32 from vector<1x1x1xf32>
    %get3A_145 = arith.constant 0 : index
    %get3A_146 = memref.load %arg6[%get3A_145] : memref<4xf32, #tpu.memory_space<smem>>
    %add3A_147 = arith.addf %get3A_146, %reduce_sum3A_89 : f32
    %swap3A = arith.constant 0 : index
    %swap3A_148 = memref.load %arg6[%swap3A] : memref<4xf32, #tpu.memory_space<smem>>
    memref.store %add3A_147, %arg6[%swap3A] : memref<4xf32, #tpu.memory_space<smem>>
    %get3A_149 = arith.constant 1 : index
    %get3A_150 = memref.load %arg6[%get3A_149] : memref<4xf32, #tpu.memory_space<smem>>
    %add3A_151 = arith.addf %get3A_150, %reduce_sum3A_19 : f32
    %swap3A_152 = arith.constant 1 : index
    %swap3A_153 = memref.load %arg6[%swap3A_152] : memref<4xf32, #tpu.memory_space<smem>>
    memref.store %add3A_151, %arg6[%swap3A_152] : memref<4xf32, #tpu.memory_space<smem>>
    %get3A_154 = arith.constant 2 : index
    %get3A_155 = memref.load %arg6[%get3A_154] : memref<4xf32, #tpu.memory_space<smem>>
    %add3A_156 = arith.addf %get3A_155, %reduce_sum3A_26 : f32
    %swap3A_157 = arith.constant 2 : index
    %swap3A_158 = memref.load %arg6[%swap3A_157] : memref<4xf32, #tpu.memory_space<smem>>
    memref.store %add3A_156, %arg6[%swap3A_157] : memref<4xf32, #tpu.memory_space<smem>>
    %get3A_159 = arith.constant 3 : index
    %get3A_160 = memref.load %arg6[%get3A_159] : memref<4xf32, #tpu.memory_space<smem>>
    %add3A_161 = arith.addf %get3A_160, %reduce_sum3A_144 : f32
    %swap3A_162 = arith.constant 3 : index
    %swap3A_163 = memref.load %arg6[%swap3A_162] : memref<4xf32, #tpu.memory_space<smem>>
    memref.store %add3A_161, %arg6[%swap3A_162] : memref<4xf32, #tpu.memory_space<smem>>
    return
  }
  func.func @transform_0(%arg0: i32) -> (i32, i32) {
    %c0_i32 = arith.constant 0 : i32
    %c0_i32_0 = arith.constant 0 : i32
    return %arg0, %c0_i32 : i32, i32
  }
  func.func @transform_1(%arg0: i32) -> (i32, i32, i32) {
    %c0_i32 = arith.constant 0 : i32
    %c0_i32_0 = arith.constant 0 : i32
    %c0_i32_1 = arith.constant 0 : i32
    return %c0_i32, %arg0, %c0_i32_0 : i32, i32, i32
  }
  func.func @transform_2(%arg0: i32) -> i32 {
    %c0_i32 = arith.constant 0 : i32
    return %arg0 : i32
  }
  func.func @transform_3(%arg0: i32) -> (i32, i32) {
    %c0_i32 = arith.constant 0 : i32
    %c0_i32_0 = arith.constant 0 : i32
    return %c0_i32, %arg0 : i32, i32
  }
  func.func @transform_4(%arg0: i32) -> (i32, i32, i32) {
    %c0_i32 = arith.constant 0 : i32
    %c0_i32_0 = arith.constant 0 : i32
    %c0_i32_1 = arith.constant 0 : i32
    return %c0_i32, %c0_i32_0, %arg0 : i32, i32, i32
  }
  func.func @transform_5(%arg0: i32) -> i32 {
    %c0_i32 = arith.constant 0 : i32
    %c0_i32_0 = arith.constant 0 : i32
    return %c0_i32 : i32
  }
}

</mosaic_0001>

<sc_bundles>
// kernel: kernel.4.cloned.1.call-start
scs
__scs_entry_jumppad:
0x0: {  	(pc) =	sbr.rel $0x88, $3  }
0x1: {  	(tag) =	ssettag $0x0;
	lr =	simm.s32 $0x1  }
0x2: {  	[smem:$0x3F9B] =	sst lr;
	_ =	strace $0xD0000000  }
0x3: {  	_ = 	snop  }
0x4: {  	_ = 	snop  }
0x5: {  	_ = 	snop  }
0x6: {  	_ = 	snop  }
0x7: {  	_ = 	snop  }
__scs_overlays_trampoline_lowered:
0x8: {  	[smem:$0x3FAA] =	sst s0  }
0x9: {  	[smem:$0x3FAB] =	sst s1  }
0xa: {  	[smem:$0x3FAC] =	sst s2  }
0xb: {  	[smem:$0x3FAD] =	sst s3  }
0xc: {  	[smem:$0x3FAE] =	sst s4  }
0xd: {  	[smem:$0x3FAF] =	sst s5  }
0xe: {  	[smem:$0x3FB0] =	sst s6  }
0xf: {  	[smem:$0x3FB1] =	sst s7  }
0x10: {  	[smem:$0x3FB2] =	sst s8  }
0x11: {  	[smem:$0x3FB3] =	sst s9;
	s0 =	simm.s32 @!p0 $0x0  }
0x12: {  	s1 =	sld [smem:$0x3F99];
	s0 =	simm.s32 @p0 $0x1  }
0x13: {  	[smem:$0x3FB4] =	sst s0;
	s0 =	simm.s32 @!p1 $0x0  }
0x14: {  	s2 =	sld [smem:$0x3F98];
	s0 =	simm.s32 @p1 $0x1  }
0x15: {  	[smem:$0x3FB5] =	sst s0;
	s0 =	simm.s32 @!p2 $0x0  }
0x16: {  	s3 =	sld [smem:$0x3FDB];
	s0 =	simm.s32 @p2 $0x1  }
0x17: {  	s4 =	simm.s32 $0x1BF5;
	[smem:$0x3FB7] =	sst s0  }
0x18: {  	s0 =	sld [smem:$0x3F9A];
	_ =	swait.ge [sflag:s4], $0x0  }
0x19: {  	s7 =	sld [smem:$0x3F9B]  }
0x1a: {  	s8 =	sadd.s32 $0xFFFFE003, lr  }
0x1b: {  	s9 =	sadd.s32 $0xFFFFFEF7, lr;
	s5 =	simm.s32 $0xFFFFFFFF;
	p2 =	slt.u32 s8, $0xFFFFF086  }
0x1c: {  	p1 =	slt.u32 s9, $0xF7A;
	s5 =	simm.s32 @!p2 $0x0  }
0x1d: {  	s5 =	simm.s32 @p1 $0x1;
	p0 =	seq.s32 s7, s2  }
0x1e: {  	s7 =	smul.u32 @!p0 $0xF7A, s2;
	p2 =	seq.s32 @!p0 s5, $0x0  }
0x1f: {  	s9 =	smul.u32 $0xF7A, s1;
	s8 =	simm.s32 @!p0 $0x1BF5;
	p2 =	por !p2, p0  }
0x20: {  	[sflag:s8] =	ssyncset.s32 @!p0 $0xFFFFF086;
	s6 =	sadd.s32 @!p0 s3, s7;
	s7 =	simm.s32 @!p0 $0x108  }
0x21: {  	s3 =	sadd.s32 s3, s9;
	s6 =	sadd.s32 @!p0 $0x88, s6;
	s7 =	simm.s32 @p2 $0x1082  }
0x22: {  	[simem:s7], [sflag:s8] =	dma.local @!p0 [hbm:s6], $0xF7A  }
0x23: {  	s9 =	sor.u32 $0xD0000000, s2;
	s6 =	simm.s32 $0x108;
	_ =	swait.ge @!p0 [sflag:s8], $0x0  }
0x24: {  	s3 =	sadd.s32 $0x88, s3;
	s6 =	simm.s32 @!p1 $0x1082;
	[sflag:s4] =	ssyncset.s32 $0xFFFFF086  }
0x25: {  	[simem:s6], [sflag:s4] =	dma.local [hbm:s3], $0xF7A  }
0x26: {  	[smem:$0x3F9B] =	sst s1;
	(tag) =	ssettag s2;
	_ =	strace s9  }
0x27: {  	s1 =	sld [smem:$0x3FAB]  }
0x28: {  	s2 =	sld [smem:$0x3FAC]  }
0x29: {  	s4 =	sld [smem:$0x3FAE]  }
0x2a: {  	p0 =	seq.s32 s5, $0x0;
	s5 =	sld [smem:$0x3FAF]  }
0x2b: {  	s6 =	sld [smem:$0x3FB0]  }
0x2c: {  	s7 =	sld [smem:$0x3FB1]  }
0x2d: {  	s3 =	simm.s32 $0x108;
	s8 =	sld [smem:$0x3FB2]  }
0x2e: {  	s3 =	simm.s32 @!p0 $0x1082;
	s9 =	sld [smem:$0x3FB3]  }
0x2f: {  	lr =	sadd.s32 s0, s3;
	s0 =	sld [smem:$0x3FAA]  }
0x30: {  	s3 =	sld [smem:$0x3FAD]  }
0x31: {  	[smem:$0x3FB6] =	sst s10  }
0x32: {  	s10 =	sld [smem:$0x3FB4];
	_ =	sdelay $0x3  }
0x33: {  	p0 =	seq.s32 s10, $0x1;
	s10 =	sld [smem:$0x3FB6];
	_ =	sdelay $0x3  }
0x34: {  	[smem:$0x3FB6] =	sst s10  }
0x35: {  	s10 =	sld [smem:$0x3FB5];
	_ =	sdelay $0x3  }
0x36: {  	p1 =	seq.s32 s10, $0x1;
	s10 =	sld [smem:$0x3FB6];
	_ =	sdelay $0x3  }
0x37: {  	[smem:$0x3FB6] =	sst s10  }
0x38: {  	s10 =	sld [smem:$0x3FB7]  }
0x39: {  	_ = 	snop;
	(pc) =	sbr.ind lr, $3  }
0x3a: {  	_ = 	snop  }
0x3b: {  	_ = 	snop  }
0x3c: {  	p2 =	seq.s32 s10, $0x1;
	s10 =	sld [smem:$0x3FB6]  }
0x3d: {  	_ =	shalt  }
0x3e: {  	_ =	shalt  }
0x3f: {  	_ =	shalt  }
0x40: {  	_ =	shalt  }
0x41: {  	_ =	shalt  }
0x42: {  	_ =	shalt  }
0x43: {  	_ =	shalt  }
0x44: {  	_ =	shalt  }
0x45: {  	_ =	shalt  }
0x46: {  	_ =	shalt  }
0x47: {  	_ =	shalt  }
0x48: {  	_ =	shalt  }
0x49: {  	_ =	shalt  }
0x4a: {  	_ =	shalt  }
0x4b: {  	_ =	shalt  }
0x4c: {  	_ =	shalt  }
0x4d: {  	_ =	shalt  }
0x4e: {  	_ =	shalt  }
0x4f: {  	_ =	shalt  }
0x50: {  	_ =	shalt  }
0x51: {  	_ =	shalt  }
0x52: {  	_ =	shalt  }
0x53: {  	_ =	shalt  }
0x54: {  	_ =	shalt  }
0x55: {  	_ =	shalt  }
0x56: {  	_ =	shalt  }
0x57: {  	_ =	shalt  }
0x58: {  	_ =	shalt  }
0x59: {  	_ =	shalt  }
0x5a: {  	_ =	shalt  }
0x5b: {  	_ =	shalt  }
0x5c: {  	_ =	shalt  }
0x5d: {  	_ =	shalt  }
0x5e: {  	_ =	shalt  }
0x5f: {  	_ =	shalt  }
0x60: {  	_ =	shalt  }
0x61: {  	_ =	shalt  }
0x62: {  	_ =	shalt  }
0x63: {  	_ =	shalt  }
0x64: {  	_ =	shalt  }
0x65: {  	_ =	shalt  }
0x66: {  	_ =	shalt  }
0x67: {  	_ =	shalt  }
0x68: {  	_ =	shalt  }
0x69: {  	_ =	shalt  }
0x6a: {  	_ =	shalt  }
0x6b: {  	_ =	shalt  }
0x6c: {  	_ =	shalt  }
0x6d: {  	_ =	shalt  }
0x6e: {  	_ =	shalt  }
0x6f: {  	_ =	shalt  }
0x70: {  	_ =	shalt  }
0x71: {  	_ =	shalt  }
0x72: {  	_ =	shalt  }
0x73: {  	_ =	shalt  }
0x74: {  	_ =	shalt  }
0x75: {  	_ =	shalt  }
0x76: {  	_ =	shalt  }
0x77: {  	_ =	shalt  }
0x78: {  	_ =	shalt  }
0x79: {  	_ =	shalt  }
0x7a: {  	_ =	shalt  }
0x7b: {  	_ =	shalt  }
0x7c: {  	_ =	shalt  }
0x7d: {  	_ =	shalt  }
0x7e: {  	_ =	shalt  }
0x7f: {  	_ =	shalt  }
0x80: {  	_ =	shalt  }
0x81: {  	_ =	shalt  }
0x82: {  	_ =	shalt  }
0x83: {  	_ =	shalt  }
0x84: {  	_ =	shalt  }
0x85: {  	_ =	shalt  }
0x86: {  	_ =	shalt  }
0x87: {  	_ =	shalt  }
.Lfunc_end0:
.L_simem_size_0:
called_computation_lowered:
.L_overlay_start_0:
0x88: {  	s2 =	sld [smem:$0x3FD9]  }
0x89: {  	s3 =	sld [smem:$0x3FFE];
	_ =	sdelay $0x1  }
0x8a: {  	s1 =	srdreg.scid  }
0x8b: {  	s0 =	sand.u32 $0x1, s1  }
0x8c: {  	s17 =	sshll.u32 s0, $0xA;
	s2 =	sadd.s32 s3, s2  }
0x8d: {  	s2 =	sadd.s32 s2, s17  }
0x8e: {  	[smem:$0x3FC2] =	sst s2  }
0x8f: {  	_ = 	snop  }
0x90: {  	s2 =	sld [smem:$0x3FC7]  }
0x91: {  	s18 =	sld [smem:$0x3FC4];
	(tm) =	ssettm $0x1  }
0x92: {  	s4 =	sld [smem:$0x3FFB];
	_ =	sdelay $0x3  }
0x93: {  	_ =	strace s4  }
0x94: {  	s4 =	sld [smem:$0x3FFC];
	_ =	sdelay $0x3  }
0x95: {  	_ =	strace s4  }
0x96: {  	s4 =	sld [smem:$0x3FFD];
	_ =	sdelay $0x3  }
0x97: {  	_ =	strace s4  }
0x98: {  	_ =	strace $0x8FFFFFFF  }
0x99: {  	s19 =	sld [smem:$0x3FDB];
	_ =	sdelay $0x1  }
0x9a: {  	s5 =	simm.s32 $_scs_section_size  }
0x9b: {  	s6 =	simm.s32 $_size__tile_overlayer_lowered;
	s7 =	simm.s32 $_tile_overlayer_lowered  }
0x9c: {  	s22 =	simm.s32 $0x1BFF;
	s21 =	sshll.u32 s7, $0x1;
	s4 =	sadd.s32 s5, s19  }
0x9d: {  	s8 =	simm.s32 $0x0;
	s20 =	sshll.u32 s6, $0x1;
	s6 =	sadd.s32 s21, s4  }
0x9e: {  	[timem:s8], [sflag:s22] =	dma.local [hbm:s6], s20  }
0x9f: {  	_ =	swait.ge [sflag:s22], s20  }
0xa0: {  	s5 =	ssub.s32 $0x0, s20;
	[sflag:s22] =	ssyncset.done $0x0  }
0xa1: {  	[sflag:s22] =	ssyncadd.s32 s5;
	_ =	sdelay $0x1  }
0xa2: {  	s23 =	simm.s32 $0x1B8B  }
0xa3: {  	_ =	swait.ge [sflag:s23], $0x1  }
0xa4: {  	[sflag:s23] =	ssyncset.done $0x0  }
0xa5: {  	s25 =	simm.s32 $0x1B8E;
	s24 =	sld [smem:$0x3FFE];
	[sflag:s23] =	ssyncadd.s32 $0xFFFFFFFF  }
0xa6: {  	s26 =	simm.s32 $execute0_lowered;
	[smem:$0x3FD2] =	sst s25  }
0xa7: {  	s6 =	sshll.u32 s26, $0x1;
	_ =	strace $0x80000046;
	[dreg:$0x1] =	wrdreg $0xFFFFFFFF  }
0xa8: {  	s28 =	simm.s32 $_size_execute0_lowered;
	s4 =	sadd.s32 s4, s6;
	[dreg:$0x0] =	wrdreg $0x0  }
0xa9: {  	s6 =	sshll.u32 s28, $0x1;
	[dreg:$0x2] =	wrdreg s4  }
0xaa: {  	[dreg:$0x3] =	wrdreg s6  }
0xab: {  	[dreg:$0x4] =	wrdreg $0xC0  }
0xac: {  	_ =	task [dreg:s8], $0x5FFFF  }
0xad: {  	[dreg:$0x1] =	wrdreg $0xFFFFFFFF  }
0xae: {  	[dreg:$0x0] =	wrdreg $0x60  }
0xaf: {  	[dreg:$0x2] =	wrdreg s24  }
0xb0: {  	[dreg:$0x3] =	wrdreg s2  }
0xb1: {  	[dreg:$0x4] =	wrdreg s18  }
0xb2: {  	[dreg:$0x5] =	wrdreg $0x9  }
0xb3: {  	_ =	task.clear_ibuf [dreg:s8], $0x6FFFF;
	_ =	strace $0x90000046  }
0xb4: {  	s29 =	simm.s32 $0x9;
	_ =	strace $0x80000048  }
0xb5: {  	_ =	swait.ge [sflag:s29], $0x1  }
0xb6: {  	[sflag:s29] =	ssyncadd.s32 $0xFFFFFFFF  }
0xb7: {  	_ =	strace $0x90000048  }
0xb8: {  	_ =	sfence  }
0xb9: {  	s30 =	sld [smem:$0x0];
	_ =	sdelay $0x2  }
0xba: {  	s31 =	sshll.u32 s1, $0xD;
	s1 =	sshrl.u32 s1, $0x2  }
0xbb: {  	s3 =	sand.u32 $0x4000, s31;
	s1 =	sadd.s32 s1, s30  }
0xbc: {  	s0 =	sor.u32 s3, s0;
	s1 =	sshll.u32 s1, $0x11  }
0xbd: {  	s0 =	sor.u32 s1, s0  }
0xbe: {  	s0 =	sadd.s32 $0x8F2B, s0  }
0xbf: {  	[sflag:s0] =	ssyncadd.remote.s32 $0x1  }
0xc0: {  	_ =	sfence.sel $0xFFFF  }
0xc1: {  	[dreg:$0x0] =	wrdreg $0xFFFFFFFF;
	(pc) =	sbr.abs _section_cstart, $3  }
0xc2: {  	[dreg:$0x1] =	wrdreg $0xFFFFFFFF  }
0xc3: {  	_ =	task.clear_ibuf [dreg:s8], $0x2FFFF;
	_ =	strace $0x9FFFFFFF  }
0xc4: {  	(tm) =	ssettm $0x7FFFFFFF  }
0xc5: {  	_ =	shalt  }
tec
execute0_lowered:
.L_overlay_start_1:
0x0: {  	(tag) =	ssettag $0x1  }
0x1: {  	s1 =	rddreg [dreg:$0x0]  }
0x2: {  	s0 =	srdreg.scid;
	s10 =	rddreg [dreg:$0x1]  }
0x3: {  	s9 =	stileid.u32;
	s14 =	rddreg [dreg:$0x2];
	s18 =	simm.s32 $0x1180  }
0x4: {  	s19 =	simm.s32 $0x5780;
	s20 =	simm.s32 $0x9D80;
	s21 =	simm.s32 $0xE380  }
0x5: {  	s22 =	simm.s32 $0x12980;
	s25 =	simm.s32 $0x2;
	s0 =	sand.u32 $0x1, s0  }
0x6: {  	s2 =	sshll.u32 s9, $0x1;
	s17 =	smul.u32 $0x2300, s9;
	s9 =	sadd.s32 $0x5500, s1  }
0x7: {  	s11 =	sadd.s32 $0x11400, s14;
	s12 =	sadd.s32 $0x22840, s14;
	s23 =	sor.u32 s0, s2  }
0x8: {  	s2 =	simm.s32 $0x0;
	s6 =	ssub.s32 $0x2, s0;
	s0 =	smul.u32 $0x1180, s0  }
0x9: {  	s13 =	sadd.s32 $0x33C80, s14;
	s24 =	smul.u32 $0x1180, s23;
	[smem:$0x7FF] =	sst s2  }
0xa: {  	s5 =	sshll.u32 s23, $0x4;
	s31 =	sshrl.u32 s6, $0x1;
	p0 =	sne.s32 s23, $0x0  }
0xb: {  	s23 =	simm.s32 $0x1;
	_ =	strace $0x80000047;
	s15 =	sadd.s32 s5, s1  }
0xc: {  	s16 =	ssub.s32 s6, s31;
	s0 =	sadd.s32 s0, s17;
	s3 =	smin.u32 s24, $0x21680  }
0xd: {  	s15 =	sadd.s32 $0x5600, s15;
	s16 =	smax.u32 s16, $0x1;
	s17 =	smin.u32 s0, $0x21680  }
.Ltmp0:
0xe: {  	s0 =	simm.s32 $0x0;
	s4 =	sshrl.u32 s3, $0x3;
	(pc) =	sbr.rel .LBB2_1-.Ltmp0, $4  }
0xf: {  	s7 =	sshrl.u32 s3, $0x1;
	s26 =	sadd.s32 $0x1180, s3;
	s4 =	sadd.s32 s4, s1  }
0x10: {  	s3 =	sadd.s32 s14, s7;
	s5 =	sadd.s32 s10, s7;
	s10 =	sadd.s32 $0x11400, s10  }
0x11: {  	s14 =	sadd.s32 $0x450C0, s14;
	s1 =	simm.s32 $0x17A00;
	s4 =	sadd.s32 $0x1000, s4  }
0x12: {  	v2 =	vlaneseq.u32;
	v0 =	vmov s24;
	v1 =	vmov s26;
	s6 =	sadd.s32 $0x11440, s3;
	s7 =	sadd.s32 $0x22880, s3;
	s8 =	sadd.s32 $0x33CC0, s3  }
.LBB2_6:
0x13: {  	v23 =	vadd.f32 v31, v23;
	v37 =	vadd.f32 $-4.992065730e-01, v35  }
0x14: {  	v36 =	vmul.f32 v32, v11;
	v22 =	vadd.f32 v28, v22;
	v38 =	vmul.f32 v33, v13  }
0x15: {  	v39 =	vadd.f32 $3.269731100e-01, v34;
	(erf) = vpow2.f32 v24;
	v41 =	vmul.f32 v37, v16  }
0x16: {  	v25 =	vadd.f32 v30, v25;
	v21 =	vadd.f32 v27, v21;
	vm1 =	vmmov vm0  }
0x17: {  	(erf) = vpow2.f32 v29;
	v42 =	vmul.f32 v39, v18;
	v43 =	vadd.f32 $9.999575010e-01, v41  }
0x18: {  	v28 =	vadd.f32 $-4.992065730e-01, v38;
	(erf) = vpow2.f32 v26;
	v10 =	vmul.f32 v25, v10  }
0x19: {  	v40 =	vadd.f32 $3.269731100e-01, v36;
	v9 =	vmul.f32 v21, v9;
	v45 =	vmul.f32 v43, v16  }
0x1a: {  	v63 =	vmax.f32 v3, $0.0e+00;
	v7 =	vmul.f32 v23, v7;
	v28 =	vmul.f32 v28, v13  }
0x1b: {  	v33 =	vld [tilespmem:s24+$0x17200];
	v24 =	vmul.f32 v40, v11;
	v44 =	vadd.f32 $-4.992065730e-01, v42;
	v16 =	vadd.f32 $5.621959080e-07, v45  }
0x1c: {  	v35 =	vld [tilespmem:s24+$0x17400];
	v8 =	vmul.f32 v22, v8;
	(erf) = vpow2.f32 v20;
	v46 =	vadd.f32 $9.999575010e-01, v28  }
0x1d: {  	v10 =	vsub.f32 v19, v10;
	v24 =	vadd.f32 $-4.992065730e-01, v24;
	v47 =	vmul.f32 v44, v18  }
0x1e: {  	v9 =	vsub.f32 v15, v9;
	v7 =	vsub.f32 v14, v7;
	v48 =	vmul.f32 v46, v13  }
0x1f: {  	v49 =	vadd.f32 $9.999575010e-01, v47;
	v50 =	vmul.f32 v24, v11;
	v10 =	vadd.f32 v16, v10;
	v16 =	vpop (erf)  }
0x20: {  	v8 =	vsub.f32 v12, v8;
	v41 =	vmax.f32 v4, $0.0e+00;
	v13 =	vadd.f32 $5.621959080e-07, v48;
	v14 =	vpop (erf)  }
0x21: {  	v15 =	vadd.f32 v35, v33;
	v51 =	vmul.f32 v49, v18;
	v52 =	vadd.f32 $9.999575010e-01, v50;
	v56 =	vpop (erf)  }
0x22: {  	v10 =	vnsel vm0, $0x0, v10;
	v9 =	vadd.f32 v13, v9;
	v58 =	vmul.f32 $1.011908330e-02, v56  }
0x23: {  	v53 =	vadd.f32 $5.621959080e-07, v51;
	v55 =	vmul.f32 v52, v11;
	v10 =	vadd.f32 v10, v17  }
0x24: {  	v54 =	vld [tilespmem:s24+$0x16F80];
	v34 =	vmul.f32 $1.011908330e-02, v16;
	v61 =	vmul.f32 $1.011908330e-02, v14;
	v13 =	vadd.f32 $-5.262485150e-02, v58  }
0x25: {  	v31 =	vld [tilespmem:s24+$0x17280];
	v9 =	vnsel vm0, $0x0, v9;
	v7 =	vadd.f32 v53, v7;
	v11 =	vadd.f32 $5.621959080e-07, v55;
	v30 =	vpop (erf)  }
0x26: {  	v36 =	vld [tilespmem:s24+$0x17480];
	v19 =	vadd.f32 $-5.262485150e-02, v61;
	v32 =	vmul.f32 $1.011908330e-02, v30;
	v13 =	vmul.f32 v13, v56  }
0x27: {  	v9 =	vadd.f32 v9, v10;
	v7 =	vnsel vm1, $0x0, v7;
	v8 =	vadd.f32 v11, v8  }
0x28: {  	v57 =	vld [tilespmem:s24+$0x17380];
	v19 =	vmul.f32 v19, v14;
	v23 =	vadd.f32 $-5.262485150e-02, v32;
	v13 =	vadd.f32 $1.307650360e-01, v13  }
0x29: {  	v42 =	vld [tilespmem:s24+$0x17680];
	vm15 =	vgt.f32 v54, $0.0e+00;
	v7 =	vadd.f32 v7, v9;
	v9 =	vadd.f32 $-5.262485150e-02, v34  }
0x2a: {  	v43 =	vld [tilespmem:s24+$0x17600];
	v19 =	vadd.f32 $1.307650360e-01, v19;
	v23 =	vmul.f32 v23, v30;
	v13 =	vmul.f32 v13, v56  }
0x2b: {  	v59 =	vld [tilespmem:s24+$0x17580];
	v22 =	vadd.f32 v36, v31;
	v8 =	vnsel vm1, $0x0, v8;
	v38 =	vmul.f32 v9, v16  }
0x2c: {  	v60 =	vld [tilespmem:s24+$0x17300];
	v19 =	vmul.f32 v19, v14;
	v40 =	vadd.f32 $1.307650360e-01, v23;
	v13 =	vadd.f32 $-2.228362560e-01, v13  }
0x2d: {  	v62 =	vld [tilespmem:s24+$0x17500];
	v45 =	vmax.f32 v5, $0.0e+00;
	v7 =	vadd.f32 v8, v7;
	v8 =	vadd.f32 $1.307650360e-01, v38  }
0x2e: {  	v47 =	vld [tilespmem:s24+$0x17800];
	v19 =	vadd.f32 $-2.228362560e-01, v19;
	v20 =	vmul.f32 v40, v30;
	v13 =	vmul.f32 v13, v56  }
0x2f: {  	v22 =	vadd.f32 v42, v22;
	v15 =	vadd.f32 v43, v15;
	v8 =	vmul.f32 v8, v16  }
0x30: {  	v48 =	vld [tilespmem:s24+$0x17880];
	v19 =	vmul.f32 v19, v14;
	v20 =	vadd.f32 $-2.228362560e-01, v20;
	v13 =	vadd.f32 $3.269731100e-01, v13  }
0x31: {  	v49 =	vmax.f32 v6, $0.0e+00;
	v17 =	vadd.f32 v59, v57;
	v8 =	vadd.f32 $-2.228362560e-01, v8  }
0x32: {  	v37 =	vld [tilespmem:s24+$0x17700];
	v19 =	vadd.f32 $3.269731100e-01, v19;
	v20 =	vmul.f32 v20, v30;
	v13 =	vmul.f32 v13, v56  }
0x33: {  	v15 =	vadd.f32 v47, v15;
	v10 =	vadd.f32 v62, v60;
	v8 =	vmul.f32 v8, v16  }
0x34: {  	v39 =	vld [tilespmem:s24+$0x17780];
	v19 =	vmul.f32 v19, v14;
	v20 =	vadd.f32 $3.269731100e-01, v20;
	v13 =	vadd.f32 $-4.992065730e-01, v13  }
0x35: {  	v54 =	vadd.f32 v48, v22;
	v55 =	vmul.f32 v15, v6;
	v8 =	vadd.f32 $3.269731100e-01, v8  }
0x36: {  	v44 =	vld [tilespmem:s24+$0x17900];
	v50 =	vadd.f32 $-4.992065730e-01, v19;
	v51 =	vmul.f32 v20, v30;
	v13 =	vmul.f32 v13, v56  }
0x37: {  	v10 =	vadd.f32 v37, v10;
	v6 =	vsub.f32 v49, v55;
	v8 =	vmul.f32 v8, v16  }
0x38: {  	v46 =	vld [tilespmem:s24+$0x17980];
	v52 =	vmul.f32 v50, v14;
	v53 =	vadd.f32 $-4.992065730e-01, v51;
	v13 =	vadd.f32 $9.999575010e-01, v13  }
0x39: {  	v58 =	vmul.f32 v54, v5;
	v9 =	vadd.f32 v39, v17;
	v8 =	vadd.f32 $-4.992065730e-01, v8  }
0x3a: {  	v57 =	vmul.f32 v53, v30;
	v12 =	vmul.f32 v13, v56;
	v56 =	vadd.f32 $9.999575010e-01, v52  }
0x3b: {  	v10 =	vadd.f32 v44, v10;
	v5 =	vsub.f32 v45, v58;
	v8 =	vmul.f32 v8, v16  }
0x3c: {  	v59 =	vadd.f32 $9.999575010e-01, v57;
	v12 =	vadd.f32 $5.621959080e-07, v12;
	v13 =	vmul.f32 v56, v14  }
0x3d: {  	v9 =	vadd.f32 v46, v9;
	v60 =	vmul.f32 v10, v4;
	v8 =	vadd.f32 $9.999575010e-01, v8  }
0x3e: {  	v11 =	vmul.f32 v59, v30;
	v6 =	vadd.f32 v12, v6;
	v61 =	vadd.f32 $5.621959080e-07, v13  }
0x3f: {  	v4 =	vsub.f32 v41, v60;
	v3 =	vmul.f32 v9, v3;
	v8 =	vmul.f32 v8, v16  }
0x40: {  	v62 =	vadd.f32 $5.621959080e-07, v11;
	v6 =	vnsel vm15, $0x0, v6;
	v5 =	vadd.f32 v61, v5  }
0x41: {  	v3 =	vsub.f32 v63, v3;
	v6 =	vadd.f32 v6, v7  }
0x42: {  	v63 =	vadd.f32 $5.621959080e-07, v8;
	v4 =	vadd.f32 v62, v4;
	v5 =	vnsel vm15, $0x0, v5  }
0x43: {  	vm0 =	vmmov vm15;
	v5 =	vadd.f32 v5, v6  }
0x44: {  	v3 =	vadd.f32 v63, v3;
	v4 =	vnsel vm0, $0x0, v4  }
0x45: {  	v4 =	vadd.f32 v4, v5  }
0x46: {  	v3 =	vnsel vm0, $0x0, v3  }
0x47: {  	v3 =	vadd.f32 v3, v4;
	_ =	sdelay $0x1  }
0x48: {  	[tilespmem:$0x17A00] =	vst v3  }
.LBB2_7:
0x49: {  	s0 =	sadd.s32 $0x1, s0  }
0x4a: {  	p1 =	sne.s32 s0, s16  }
.Ltmp1:
0x4b: {  	_ = 	snop;
	(pc) =	sbr.rel @!p1 .LBB2_8-.Ltmp1, $4  }
0x4c: {  	[hbm4b:s15+s2] =	stream.linear.scatter [tilespmem:s1], [sflag:$0x2], $0x80, $0x38;
	[tilespmem:$0x17A80] =	vst v63  }
0x4d: {  	_ =	swait.ge [sflag:s25], $0x80  }
0x4e: {  	[sflag:s25] =	ssyncset.done $0x0  }
0x4f: {  	[sflag:s25] =	ssyncadd.s32 $0xFFFFFF80  }
.LBB2_1:
0x50: {  	[tilespmem:s2], [sflag:$0x1] =	stream.linear.gather [hbm4b:s4+s2], $0x1180, $0x38;
	[tilespmem:$0x17A80] =	vst v63  }
0x51: {  	_ = 	snop  }
0x52: {  	[tilespmem:s18], [sflag:$0x1] =	stream.linear.gather [hbm4b:s5+s2], $0x4600, $0x38;
	[tilespmem:$0x17A80] =	vst v63  }
0x53: {  	_ = 	snop  }
0x54: {  	[tilespmem:s19], [sflag:$0x1] =	stream.linear.gather [hbm4b:s3+s2], $0x4600, $0x38;
	[tilespmem:$0x17A80] =	vst v63  }
0x55: {  	_ = 	snop  }
0x56: {  	[tilespmem:s20], [sflag:$0x1] =	stream.linear.gather [hbm4b:s6+s2], $0x4600, $0x38;
	[tilespmem:$0x17A80] =	vst v63  }
0x57: {  	_ = 	snop  }
0x58: {  	[tilespmem:s21], [sflag:$0x1] =	stream.linear.gather [hbm4b:s7+s2], $0x4600, $0x38;
	[tilespmem:$0x17A80] =	vst v63  }
0x59: {  	_ = 	snop  }
0x5a: {  	[tilespmem:s22], [sflag:$0x1] =	stream.linear.gather [hbm4b:s8+s2], $0x4600, $0x38;
	[tilespmem:$0x17A80] =	vst v63  }
0x5b: {  	_ =	swait.ge [sflag:s23], $0x1180  }
0x5c: {  	[sflag:s23] =	ssyncset.done $0x0  }
0x5d: {  	[sflag:s23] =	ssyncadd.s32 $0xFFFFEE80  }
0x5e: {  	_ =	swait.ge [sflag:s23], $0x4600  }
0x5f: {  	[sflag:s23] =	ssyncset.done $0x0  }
0x60: {  	[sflag:s23] =	ssyncadd.s32 $0xFFFFBA00  }
0x61: {  	_ =	swait.ge [sflag:s23], $0x4600  }
0x62: {  	[sflag:s23] =	ssyncset.done $0x0  }
0x63: {  	[sflag:s23] =	ssyncadd.s32 $0xFFFFBA00  }
0x64: {  	_ =	swait.ge [sflag:s23], $0x4600  }
0x65: {  	[sflag:s23] =	ssyncset.done $0x0  }
0x66: {  	[sflag:s23] =	ssyncadd.s32 $0xFFFFBA00  }
0x67: {  	_ =	swait.ge [sflag:s23], $0x4600  }
0x68: {  	[sflag:s23] =	ssyncset.done $0x0  }
0x69: {  	[sflag:s23] =	ssyncadd.s32 $0xFFFFBA00  }
0x6a: {  	_ =	swait.ge [sflag:s23], $0x4600  }
0x6b: {  	s24 =	sand.u32 $0x70, s2;
	s26 =	sand.u32 $0x7E00, s2;
	[sflag:s23] =	ssyncset.done $0x0  }
0x6c: {  	s30 =	sor.u32 s24, s26;
	[sflag:s23] =	ssyncadd.s32 $0xFFFFBA00  }
0x6d: {  	v9 =	vld [tilespmem:s30+$0x1200]  }
0x6e: {  	v10 =	vld [tilespmem:s30+$0x1180];
	_ =	sdelay $0x3  }
0x6f: {  	v7 =	vld [tilespmem:s30+$0x1280];
	v3 =	vand.u32 $0x7FFFFFFF, v9  }
0x70: {  	v6 =	vld [tilespmem:s30+$0x1300];
	v4 =	vand.u32 $0x7FFFFFFF, v10;
	v3 =	vsub.f32 $0.0e+00, v3  }
0x71: {  	s26 =	simm.s32 $0x0;
	v4 =	vsub.f32 $0.0e+00, v4  }
0x72: {  	v8 =	vld [tilespmem:s26+$0x0];
	v3 =	vmul.f32 $1.442695020e+00, v3  }
0x73: {  	v17 =	vld [tilespmem:s30+$0x5900];
	v4 =	vmul.f32 $1.442695020e+00, v4  }
0x74: {  	v18 =	vld [tilespmem:s30+$0x9F00];
	v5 =	vand.u32 $0x7FFFFFFF, v7;
	(erf) = vpow2.f32 v3  }
0x75: {  	v19 =	vld [tilespmem:s30+$0x5880];
	v5 =	vsub.f32 $0.0e+00, v5;
	v3 =	vand.u32 $0x7FFFFFFF, v6;
	(erf) = vpow2.f32 v4  }
0x76: {  	v20 =	vld [tilespmem:s30+$0x9E80];
	v3 =	vsub.f32 $0.0e+00, v3  }
0x77: {  	v21 =	vld [tilespmem:s30+$0x5800];
	v4 =	vmul.f32 $1.442695020e+00, v5  }
0x78: {  	s28 =	simm.s32 $0x40;
	s26 =	simm.s32 $0x10;
	v22 =	vld [tilespmem:s30+$0x9E00];
	v5 =	vmul.f32 $1.442695020e+00, v3  }
0x79: {  	s29 =	sand.u32 $0x7E00, s28;
	v23 =	vld [tilespmem:s30+$0x5780];
	s31 =	sand.u32 $0x70, s26;
	(erf) = vpow2.f32 v4  }
0x7a: {  	v24 =	vld [tilespmem:s30+$0x9D80];
	s24 =	sor.u32 s31, s29;
	s29 =	sadd.s32 $0x0, s17;
	(erf) = vpow2.f32 v5  }
0x7b: {  	v12 =	vor.u32 s29, v2;
	v3 =	vld [tilespmem:s24+$0x1300]  }
0x7c: {  	v11 =	vimm.f32 $0.0e+00;
	vm0 =	vlt.u32 v12, v1;
	v4 =	vld [tilespmem:s24+$0x1280]  }
0x7d: {  	vm2 =	vge.u32 v12, v0;
	vm1 =	vgt.f32 v8, $0.0e+00;
	v14 =	vmax.f32 v7, $0.0e+00;
	v13 =	vpop (erf)  }
0x7e: {  	v12 =	vmax.f32 v6, $0.0e+00;
	v16 =	vmax.f32 v9, $0.0e+00;
	v19 =	vadd.f32 v20, v19;
	v5 =	vld [tilespmem:s24+$0x1200];
	v15 =	vpop (erf)  }
0x7f: {  	v26 =	vadd.f32 v18, v17;
	v28 =	vadd.f32 v24, v23;
	v25 =	vmul.f32 $1.011908330e-02, v15  }
0x80: {  	v21 =	vadd.f32 v22, v21;
	v18 =	vand.u32 $0x7FFFFFFF, v3;
	v23 =	vmul.f32 $1.011908330e-02, v13  }
0x81: {  	v8 =	vld [tilespmem:s24+$0x1180];
	v20 =	vand.u32 $0x7FFFFFFF, v4;
	v29 =	vsub.f32 $0.0e+00, v18;
	v22 =	vadd.f32 $-5.262485150e-02, v25  }
0x82: {  	v30 =	vld [tilespmem:s30+$0xE480];
	vm1 =	vmand vm2, vm1;
	v33 =	vsub.f32 $0.0e+00, v20;
	v17 =	vpop (erf);
	v23 =	vadd.f32 $-5.262485150e-02, v23  }
0x83: {  	v27 =	vld [tilespmem:s30+$0xE500];
	v25 =	vand.u32 $0x7FFFFFFF, v5;
	v31 =	vmul.f32 $1.011908330e-02, v17;
	v18 =	vpop (erf);
	v22 =	vmul.f32 v22, v15  }
0x84: {  	v32 =	vsub.f32 $0.0e+00, v25;
	v23 =	vmul.f32 v23, v13;
	v25 =	vmul.f32 $1.011908330e-02, v18  }
0x85: {  	v35 =	vld [tilespmem:s30+$0xE400];
	vm0 =	vmand vm0, vm1;
	v31 =	vadd.f32 $-5.262485150e-02, v31;
	v34 =	vadd.f32 $1.307650360e-01, v22  }
0x86: {  	v24 =	vand.u32 $0x7FFFFFFF, v8;
	v37 =	vadd.f32 $1.307650360e-01, v23;
	v25 =	vadd.f32 $-5.262485150e-02, v25  }
0x87: {  	v36 =	vld [tilespmem:s30+$0xE380];
	v23 =	vadd.f32 v30, v19;
	v31 =	vmul.f32 v31, v17;
	v34 =	vmul.f32 v34, v15  }
0x88: {  	v22 =	vsub.f32 $0.0e+00, v24;
	v24 =	vadd.f32 v27, v26;
	v19 =	vmul.f32 v25, v18  }
0x89: {  	v27 =	vmul.f32 v37, v13;
	v30 =	vadd.f32 $1.307650360e-01, v31;
	v26 =	vadd.f32 $-2.228362560e-01, v34  }
0x8a: {  	v20 =	vmax.f32 v10, $0.0e+00;
	v25 =	vadd.f32 v35, v21;
	v31 =	vld [tilespmem:s30+$0x12A80];
	v21 =	vadd.f32 $1.307650360e-01, v19  }
0x8b: {  	v61 =	vadd.f32 $-2.228362560e-01, v27;
	v27 =	vld [tilespmem:s30+$0x12B00];
	v30 =	vmul.f32 v30, v17;
	v34 =	vmul.f32 v26, v15  }
0x8c: {  	v19 =	vmul.f32 $1.442695020e+00, v29;
	v26 =	vadd.f32 v36, v28;
	v62 =	vmul.f32 v21, v18  }
0x8d: {  	v29 =	vld [tilespmem:s30+$0x12A00];
	v35 =	vmul.f32 v61, v13;
	v63 =	vadd.f32 $-2.228362560e-01, v30;
	v34 =	vadd.f32 $3.269731100e-01, v34  }
0x8e: {  	v28 =	vmul.f32 $1.442695020e+00, v32;
	v21 =	vmul.f32 $1.442695020e+00, v33;
	v32 =	vadd.f32 $-2.228362560e-01, v62  }
0x8f: {  	s29 =	simm.s32 $0x20;
	v30 =	vld [tilespmem:s30+$0x12980];
	v33 =	vmul.f32 v34, v15;
	v34 =	vadd.f32 $3.269731100e-01, v35;
	v35 =	vmul.f32 v63, v17  }
.LBB2_2:
0x90: {  	p1 =	sne.s32 s29, $0x1170;
	v23 =	vadd.f32 v31, v23;
	v24 =	vadd.f32 v27, v24;
	v27 =	vmul.f32 v32, v18  }
0x91: {  	v31 =	vadd.f32 $-4.992065730e-01, v33;
	v32 =	vmul.f32 v34, v13;
	v33 =	vadd.f32 $3.269731100e-01, v35  }
0x92: {  	v22 =	vmul.f32 $1.442695020e+00, v22;
	v25 =	vadd.f32 v29, v25;
	v27 =	vadd.f32 $3.269731100e-01, v27  }
0x93: {  	v29 =	vmul.f32 v31, v15;
	v31 =	vadd.f32 $-4.992065730e-01, v32;
	v32 =	vmul.f32 v33, v17  }
0x94: {  	(erf) = vpow2.f32 v28;
	v26 =	vadd.f32 v30, v26;
	v27 =	vmul.f32 v27, v18  }
0x95: {  	v28 =	vadd.f32 $9.999575010e-01, v29;
	v29 =	vmul.f32 v31, v13;
	v30 =	vadd.f32 $-4.992065730e-01, v32  }
0x96: {  	s30 =	sshra.s32 s28, $0x2;
	(erf) = vpow2.f32 v22;
	v22 =	vmul.f32 v26, v10;
	v26 =	vadd.f32 $-4.992065730e-01, v27;
	v10 =	vmovc v8  }
0x97: {  	v8 =	vld [tilespmem:s30+$0x0];
	v15 =	vmul.f32 v28, v15;
	v27 =	vadd.f32 $9.999575010e-01, v29;
	v28 =	vmul.f32 v30, v17  }
0x98: {  	v29 =	vld [tilespmem:s24+$0x5900];
	v20 =	vsub.f32 v20, v22;
	v22 =	vmul.f32 v25, v9;
	v25 =	vmul.f32 v26, v18;
	v9 =	vmovc v5  }
0x99: {  	v26 =	vld [tilespmem:s24+$0x9F00];
	v5 =	vadd.f32 $5.621959080e-07, v15;
	v13 =	vmul.f32 v27, v13;
	v15 =	vadd.f32 $9.999575010e-01, v28  }
0x9a: {  	v27 =	vld [tilespmem:s24+$0x5880];
	v16 =	vsub.f32 v16, v22;
	v22 =	vmul.f32 v23, v7;
	v23 =	vadd.f32 $9.999575010e-01, v25;
	v7 =	vmovc v4  }
0x9b: {  	v25 =	vld [tilespmem:s24+$0x9E80];
	v4 =	vadd.f32 v5, v20;
	v5 =	vadd.f32 $5.621959080e-07, v13;
	v15 =	vmul.f32 v15, v17  }
0x9c: {  	v20 =	vmul.f32 v24, v6;
	v6 =	vmovc v3;
	v17 =	vld [tilespmem:s24+$0x5800];
	v14 =	vsub.f32 v14, v22;
	v18 =	vmul.f32 v23, v18  }
0x9d: {  	s28 =	sadd.s32 $0x40, s28;
	v22 =	vld [tilespmem:s24+$0x9E00];
	v13 =	vpop (erf);
	v3 =	vnsel vm0, $0x0, v4;
	v4 =	vadd.f32 v5, v16;
	v5 =	vadd.f32 $5.621959080e-07, v15  }
0x9e: {  	s31 =	sand.u32 $0x7E00, s28;
	s30 =	sand.u32 $0x70, s29;
	v12 =	vsub.f32 v12, v20;
	v23 =	vld [tilespmem:s24+$0x5780];
	(erf) = vpow2.f32 v21;
	v11 =	vadd.f32 v3, v11  }
0x9f: {  	s30 =	sor.u32 s30, s31;
	s31 =	sadd.s32 s26, s17;
	s26 =	smov.u32 s29;
	v20 =	vld [tilespmem:s24+$0x9D80];
	v15 =	vpop (erf);
	v4 =	vnsel vm0, $0x0, v4;
	v5 =	vadd.f32 v5, v14;
	v14 =	vadd.f32 $5.621959080e-07, v18  }
0xa0: {  	v16 =	vor.u32 s31, v2;
	v3 =	vld [tilespmem:s30+$0x1300];
	(erf) = vpow2.f32 v19;
	v11 =	vadd.f32 v4, v11  }
0xa1: {  	vm1 =	vlt.u32 v16, v1;
	v4 =	vld [tilespmem:s30+$0x1280];
	v18 =	vnsel vm0, $0x0, v5;
	v19 =	vadd.f32 v14, v12  }
0xa2: {  	vm2 =	vgt.f32 v8, $0.0e+00;
	vm3 =	vge.u32 v16, v0;
	v5 =	vld [tilespmem:s30+$0x1200];
	v11 =	vadd.f32 v18, v11  }
0xa3: {  	v14 =	vmax.f32 v7, $0.0e+00;
	v12 =	vmax.f32 v6, $0.0e+00;
	v8 =	vld [tilespmem:s30+$0x1180];
	v18 =	vnsel vm0, $0x0, v19  }
0xa4: {  	v16 =	vmax.f32 v9, $0.0e+00;
	vm0 =	vmand vm3, vm2;
	v11 =	vadd.f32 v18, v11  }
0xa5: {  	v21 =	vadd.f32 v26, v29;
	v19 =	vadd.f32 v25, v27;
	v18 =	vmul.f32 $1.011908330e-02, v15  }
0xa6: {  	v25 =	vadd.f32 v22, v17;
	v26 =	vadd.f32 v20, v23;
	v24 =	vand.u32 $0x7FFFFFFF, v3  }
0xa7: {  	v22 =	vmul.f32 $1.011908330e-02, v13;
	v20 =	vand.u32 $0x7FFFFFFF, v4;
	v32 =	vadd.f32 $-5.262485150e-02, v18;
	v17 =	vpop (erf)  }
0xa8: {  	v28 =	vsub.f32 $0.0e+00, v24;
	v27 =	vand.u32 $0x7FFFFFFF, v5;
	v23 =	vand.u32 $0x7FFFFFFF, v8;
	v24 =	vld [tilespmem:s24+$0xE500]  }
0xa9: {  	v22 =	vadd.f32 $-5.262485150e-02, v22;
	v29 =	vmul.f32 v32, v15;
	v31 =	vmul.f32 $1.011908330e-02, v17;
	v30 =	vld [tilespmem:s24+$0xE480];
	v18 =	vpop (erf)  }
0xaa: {  	v33 =	vsub.f32 $0.0e+00, v20;
	v32 =	vsub.f32 $0.0e+00, v27;
	v27 =	vmul.f32 $1.011908330e-02, v18  }
0xab: {  	v35 =	vmul.f32 v22, v13;
	v29 =	vadd.f32 $1.307650360e-01, v29;
	v31 =	vadd.f32 $-5.262485150e-02, v31;
	v34 =	vld [tilespmem:s24+$0xE400]  }
0xac: {  	v20 =	vmax.f32 v10, $0.0e+00;
	v22 =	vsub.f32 $0.0e+00, v23;
	v27 =	vadd.f32 $-5.262485150e-02, v27  }
0xad: {  	v35 =	vadd.f32 $1.307650360e-01, v35;
	v29 =	vmul.f32 v29, v15;
	v31 =	vmul.f32 v31, v17;
	v36 =	vld [tilespmem:s24+$0xE380]  }
0xae: {  	v24 =	vadd.f32 v24, v21;
	v23 =	vadd.f32 v30, v19;
	v19 =	vmul.f32 v27, v18  }
0xaf: {  	v21 =	vadd.f32 $-2.228362560e-01, v29;
	v29 =	vmul.f32 v35, v13;
	v30 =	vadd.f32 $1.307650360e-01, v31  }
0xb0: {  	vm0 =	vmand vm1, vm0;
	v25 =	vadd.f32 v34, v25;
	v27 =	vld [tilespmem:s24+$0x12B00];
	v34 =	vadd.f32 $1.307650360e-01, v19  }
.Ltmp2:
0xb1: {  	v21 =	vmul.f32 v21, v15;
	v35 =	vadd.f32 $-2.228362560e-01, v29;
	v30 =	vmul.f32 v30, v17;
	v31 =	vld [tilespmem:s24+$0x12A80];
	(pc) =	sbr.rel @p1 .LBB2_2-.Ltmp2, $4  }
0xb2: {  	v19 =	vmul.f32 $1.442695020e+00, v28;
	v26 =	vadd.f32 v36, v26;
	v34 =	vmul.f32 v34, v18  }
0xb3: {  	v36 =	vadd.f32 $3.269731100e-01, v21;
	v35 =	vmul.f32 v35, v13;
	v37 =	vadd.f32 $-2.228362560e-01, v30;
	v29 =	vld [tilespmem:s24+$0x12A00]  }
0xb4: {  	v28 =	vmul.f32 $1.442695020e+00, v32;
	v21 =	vmul.f32 $1.442695020e+00, v33;
	v32 =	vadd.f32 $-2.228362560e-01, v34  }
0xb5: {  	s29 =	sadd.s32 $0x10, s29;
	v33 =	vmul.f32 v36, v15;
	v34 =	vadd.f32 $3.269731100e-01, v35;
	v35 =	vmul.f32 v37, v17;
	v30 =	vld [tilespmem:s24+$0x12980];
	s24 =	smov.u32 s30  }
0xb6: {  	v23 =	vadd.f32 v31, v23  }
0xb7: {  	v24 =	vadd.f32 v27, v24;
	v38 =	vmul.f32 v32, v18;
	v22 =	vmul.f32 $1.442695020e+00, v22  }
0xb8: {  	(erf) = vpow2.f32 v28;
	v32 =	vmax.f32 v4, $0.0e+00;
	v39 =	vadd.f32 $-4.992065730e-01, v33  }
0xb9: {  	v40 =	vmul.f32 v34, v13;
	v41 =	vadd.f32 $3.269731100e-01, v35;
	v25 =	vadd.f32 v29, v25  }
0xba: {  	v27 =	vadd.f32 $3.269731100e-01, v38;
	(erf) = vpow2.f32 v22;
	v7 =	vmul.f32 v23, v7  }
0xbb: {  	v6 =	vmul.f32 v24, v6;
	v38 =	vmax.f32 v3, $0.0e+00;
	v42 =	vmul.f32 v39, v15  }
0xbc: {  	v43 =	vadd.f32 $-4.992065730e-01, v40;
	v44 =	vmul.f32 v41, v17;
	(erf) = vpow2.f32 v21  }
0xbd: {  	s28 =	sshra.s32 s28, $0x2;
	v26 =	vadd.f32 v30, v26;
	v27 =	vmul.f32 v27, v18;
	v9 =	vmul.f32 v25, v9  }
0xbe: {  	v58 =	vld [tilespmem:s28+$0x0];
	v7 =	vsub.f32 v14, v7;
	v45 =	vadd.f32 $9.999575010e-01, v42;
	v46 =	vmul.f32 v43, v13  }
0xbf: {  	v31 =	vld [tilespmem:s24+$0x9E80];
	(erf) = vpow2.f32 v19;
	v6 =	vsub.f32 v12, v6;
	v47 =	vadd.f32 $-4.992065730e-01, v44  }
0xc0: {  	v29 =	vld [tilespmem:s24+$0x5880];
	v10 =	vmul.f32 v26, v10;
	v49 =	vmul.f32 v45, v15;
	v50 =	vadd.f32 $9.999575010e-01, v46  }
0xc1: {  	v48 =	vadd.f32 $-4.992065730e-01, v27;
	v9 =	vsub.f32 v16, v9;
	v51 =	vmul.f32 v47, v17  }
0xc2: {  	s26 =	sadd.s32 s26, s17;
	v10 =	vsub.f32 v20, v10;
	v15 =	vadd.f32 $5.621959080e-07, v49;
	v53 =	vmul.f32 v50, v13  }
0xc3: {  	v26 =	vor.u32 s26, v2;
	vm2 =	vgt.f32 v58, $0.0e+00;
	v54 =	vadd.f32 $9.999575010e-01, v51  }
0xc4: {  	vm1 =	vlt.u32 v26, v1;
	v10 =	vadd.f32 v15, v10;
	v13 =	vadd.f32 $5.621959080e-07, v53  }
0xc5: {  	vm3 =	vge.u32 v26, v0;
	v12 =	vadd.f32 v31, v29;
	v52 =	vmul.f32 v48, v18;
	v60 =	vpop (erf)  }
0xc6: {  	v56 =	vmul.f32 v54, v17;
	v61 =	vpop (erf);
	v10 =	vnsel vm0, $0x0, v10;
	v9 =	vadd.f32 v13, v9  }
0xc7: {  	v55 =	vadd.f32 $9.999575010e-01, v52;
	v27 =	vmul.f32 $1.011908330e-02, v61;
	v10 =	vadd.f32 v10, v11  }
0xc8: {  	v30 =	vmul.f32 $1.011908330e-02, v60;
	v59 =	vadd.f32 $5.621959080e-07, v56;
	v9 =	vnsel vm0, $0x0, v9  }
0xc9: {  	v57 =	vmul.f32 v55, v18;
	v33 =	vpop (erf);
	v9 =	vadd.f32 v9, v10;
	v10 =	vadd.f32 $-5.262485150e-02, v27  }
0xca: {  	v46 =	vmax.f32 v5, $0.0e+00;
	v16 =	vadd.f32 $-5.262485150e-02, v30;
	v35 =	vmul.f32 $1.011908330e-02, v33  }
0xcb: {  	v37 =	vld [tilespmem:s24+$0x5780];
	v36 =	vpop (erf);
	v62 =	vadd.f32 $5.621959080e-07, v57;
	v7 =	vadd.f32 v59, v7;
	v10 =	vmul.f32 v10, v61  }
0xcc: {  	v34 =	vld [tilespmem:s24+$0x5800];
	v39 =	vmul.f32 $1.011908330e-02, v36;
	v16 =	vmul.f32 v16, v60;
	v20 =	vadd.f32 $-5.262485150e-02, v35  }
0xcd: {  	v40 =	vld [tilespmem:s24+$0x9D80];
	v6 =	vadd.f32 v62, v6;
	v7 =	vnsel vm0, $0x0, v7;
	v10 =	vadd.f32 $1.307650360e-01, v10  }
0xce: {  	v41 =	vld [tilespmem:s24+$0x9E00];
	v42 =	vadd.f32 $-5.262485150e-02, v39;
	v20 =	vmul.f32 v20, v33;
	v7 =	vadd.f32 v7, v9  }
0xcf: {  	v63 =	vld [tilespmem:s24+$0x5900];
	v16 =	vadd.f32 $1.307650360e-01, v16;
	v6 =	vnsel vm0, $0x0, v6;
	v10 =	vmul.f32 v10, v61  }
0xd0: {  	v43 =	vld [tilespmem:s24+$0xE480];
	v45 =	vadd.f32 $1.307650360e-01, v20;
	v6 =	vadd.f32 v6, v7;
	v7 =	vmul.f32 v42, v36  }
0xd1: {  	v47 =	vld [tilespmem:s24+$0xE400];
	vm15 =	vmand vm3, vm2;
	v16 =	vmul.f32 v16, v60;
	v10 =	vadd.f32 $-2.228362560e-01, v10  }
0xd2: {  	v28 =	vld [tilespmem:s24+$0x9F00];
	v22 =	vadd.f32 v40, v37;
	v18 =	vmul.f32 v45, v33;
	v7 =	vadd.f32 $1.307650360e-01, v7  }
0xd3: {  	v48 =	vld [tilespmem:s24+$0xE380];
	v19 =	vadd.f32 v41, v34;
	v16 =	vadd.f32 $-2.228362560e-01, v16;
	v10 =	vmul.f32 v10, v61  }
0xd4: {  	v49 =	vld [tilespmem:s24+$0x12A80];
	v50 =	vmax.f32 v8, $0.0e+00;
	v18 =	vadd.f32 $-2.228362560e-01, v18;
	v7 =	vmul.f32 v7, v36  }
0xd5: {  	v44 =	vld [tilespmem:s24+$0xE500];
	v12 =	vadd.f32 v43, v12;
	v16 =	vmul.f32 v16, v60;
	v10 =	vadd.f32 $3.269731100e-01, v10  }
0xd6: {  	v52 =	vld [tilespmem:s24+$0x12980];
	v19 =	vadd.f32 v47, v19;
	v18 =	vmul.f32 v18, v33;
	v7 =	vadd.f32 $-2.228362560e-01, v7  }
0xd7: {  	v53 =	vld [tilespmem:s24+$0x12A00];
	v13 =	vadd.f32 v28, v63;
	v16 =	vadd.f32 $3.269731100e-01, v16;
	v10 =	vmul.f32 v10, v61  }
0xd8: {  	v51 =	vld [tilespmem:s24+$0x12B00];
	v22 =	vadd.f32 v48, v22;
	v18 =	vadd.f32 $3.269731100e-01, v18;
	v7 =	vmul.f32 v7, v36  }
0xd9: {  	v12 =	vadd.f32 v49, v12;
	v16 =	vmul.f32 v16, v60;
	v10 =	vadd.f32 $-4.992065730e-01, v10  }
0xda: {  	v13 =	vadd.f32 v44, v13;
	v18 =	vmul.f32 v18, v33;
	v7 =	vadd.f32 $3.269731100e-01, v7  }
0xdb: {  	v54 =	vadd.f32 v52, v22;
	v16 =	vadd.f32 $-4.992065730e-01, v16;
	v10 =	vmul.f32 v10, v61  }
0xdc: {  	v19 =	vadd.f32 v53, v19;
	v18 =	vadd.f32 $-4.992065730e-01, v18;
	v7 =	vmul.f32 v7, v36  }
0xdd: {  	v13 =	vadd.f32 v51, v13;
	v16 =	vmul.f32 v16, v60;
	v10 =	vadd.f32 $9.999575010e-01, v10  }
0xde: {  	v55 =	vmul.f32 v54, v8;
	v57 =	vmul.f32 v18, v33;
	v7 =	vadd.f32 $-4.992065730e-01, v7  }
0xdf: {  	v58 =	vmul.f32 v19, v5;
	v56 =	vadd.f32 $9.999575010e-01, v16;
	v10 =	vmul.f32 v10, v61  }
0xe0: {  	v8 =	vsub.f32 v50, v55;
	v59 =	vadd.f32 $9.999575010e-01, v57;
	v7 =	vmul.f32 v7, v36  }
0xe1: {  	v5 =	vsub.f32 v46, v58;
	v11 =	vmul.f32 v56, v60;
	v10 =	vadd.f32 $5.621959080e-07, v10  }
0xe2: {  	v60 =	vmul.f32 v12, v4;
	v62 =	vmul.f32 v59, v33;
	v7 =	vadd.f32 $9.999575010e-01, v7  }
0xe3: {  	vm0 =	vmand vm1, vm15;
	v61 =	vadd.f32 $5.621959080e-07, v11;
	v8 =	vadd.f32 v10, v8  }
0xe4: {  	v3 =	vmul.f32 v13, v3;
	v4 =	vsub.f32 v32, v60;
	v63 =	vadd.f32 $5.621959080e-07, v62  }
0xe5: {  	v7 =	vmul.f32 v7, v36;
	v5 =	vadd.f32 v61, v5;
	v8 =	vnsel vm0, $0x0, v8  }
0xe6: {  	v3 =	vsub.f32 v38, v3;
	v6 =	vadd.f32 v8, v6  }
0xe7: {  	v4 =	vadd.f32 v63, v4;
	v5 =	vnsel vm0, $0x0, v5;
	v7 =	vadd.f32 $5.621959080e-07, v7  }
0xe8: {  	v5 =	vadd.f32 v5, v6  }
0xe9: {  	v4 =	vnsel vm0, $0x0, v4;
	v3 =	vadd.f32 v7, v3  }
.Ltmp3:
0xea: {  	v4 =	vadd.f32 v4, v5;
	(pc) =	sbr.rel @p0 .LBB2_7-.Ltmp3, $3  }
0xeb: {  	v3 =	vnsel vm0, $0x0, v3  }
0xec: {  	v3 =	vadd.f32 v3, v4;
	_ =	sdelay $0x1  }
0xed: {  	[tilespmem:$0x17A00] =	vst v3  }
0xee: {  	s24 =	simm.s32 $0x0;
	s26 =	simm.s32 $0x16F80  }
0xef: {  	[tilespmem:s26], [sflag:$0x2] =	stream.linear.gather [hbm4b:s9+s24], $0x40, $0x38;
	[tilespmem:$0x17A80] =	vst v63  }
0xf0: {  	_ =	swait.ge [sflag:s25], $0x40  }
0xf1: {  	[sflag:s25] =	ssyncset.done $0x0  }
0xf2: {  	s31 =	simm.s32 $0x17000;
	[sflag:s25] =	ssyncadd.s32 $0xFFFFFFC0  }
0xf3: {  	[tilespmem:s31], [sflag:$0x2] =	stream.linear.gather [hbm4b:s10+s24], $0x200, $0x38;
	[tilespmem:$0x17A80] =	vst v63  }
0xf4: {  	_ =	swait.ge [sflag:s25], $0x200  }
0xf5: {  	[sflag:s25] =	ssyncset.done $0x0  }
0xf6: {  	s28 =	simm.s32 $0x17200;
	[sflag:s25] =	ssyncadd.s32 $0xFFFFFE00  }
0xf7: {  	[tilespmem:s28], [sflag:$0x2] =	stream.linear.gather [hbm4b:s11+s24], $0x200, $0x38;
	[tilespmem:$0x17A80] =	vst v63  }
0xf8: {  	_ =	swait.ge [sflag:s25], $0x200  }
0xf9: {  	[sflag:s25] =	ssyncset.done $0x0  }
0xfa: {  	s29 =	simm.s32 $0x17400;
	[sflag:s25] =	ssyncadd.s32 $0xFFFFFE00  }
0xfb: {  	[tilespmem:s29], [sflag:$0x2] =	stream.linear.gather [hbm4b:s12+s24], $0x200, $0x38;
	[tilespmem:$0x17A80] =	vst v63  }
0xfc: {  	_ =	swait.ge [sflag:s25], $0x200  }
0xfd: {  	[sflag:s25] =	ssyncset.done $0x0  }
0xfe: {  	s30 =	simm.s32 $0x17600;
	[sflag:s25] =	ssyncadd.s32 $0xFFFFFE00  }
0xff: {  	[tilespmem:s30], [sflag:$0x2] =	stream.linear.gather [hbm4b:s13+s24], $0x200, $0x38;
	[tilespmem:$0x17A80] =	vst v63  }
0x100: {  	_ =	swait.ge [sflag:s25], $0x200  }
0x101: {  	[sflag:s25] =	ssyncset.done $0x0  }
0x102: {  	s31 =	simm.s32 $0x17800;
	[sflag:s25] =	ssyncadd.s32 $0xFFFFFE00  }
0x103: {  	[tilespmem:s31], [sflag:$0x2] =	stream.linear.gather [hbm4b:s14+s24], $0x200, $0x38;
	[tilespmem:$0x17A80] =	vst v63  }
0x104: {  	_ =	swait.ge [sflag:s25], $0x200  }
0x105: {  	[sflag:s25] =	ssyncset.done $0x0  }
0x106: {  	s28 =	simm.s32 $0x0;
	[sflag:s25] =	ssyncadd.s32 $0xFFFFFE00  }
0x107: {  	v8 =	vld [tilespmem:s28+$0x17180]  }
0x108: {  	v9 =	vld [tilespmem:s28+$0x17080]  }
0x109: {  	v10 =	vld [tilespmem:s28+$0x17000];
	_ =	sdelay $0x2  }
0x10a: {  	v3 =	vand.u32 $0x7FFFFFFF, v8  }
0x10b: {  	v4 =	vand.u32 $0x7FFFFFFF, v9;
	v3 =	vsub.f32 $0.0e+00, v3  }
0x10c: {  	v7 =	vld [tilespmem:s28+$0x17100];
	v5 =	vand.u32 $0x7FFFFFFF, v10;
	v4 =	vsub.f32 $0.0e+00, v4  }
0x10d: {  	v5 =	vsub.f32 $0.0e+00, v5;
	v3 =	vmul.f32 $1.442695020e+00, v3  }
0x10e: {  	v14 =	vld [tilespmem:s28+$0x16F80];
	v4 =	vmul.f32 $1.442695020e+00, v4  }
0x10f: {  	v17 =	vld [tilespmem:s28+$0x17380];
	v5 =	vmul.f32 $1.442695020e+00, v5;
	(erf) = vpow2.f32 v3  }
0x110: {  	v18 =	vld [tilespmem:s28+$0x17580];
	(erf) = vpow2.f32 v4  }
0x111: {  	v19 =	vld [tilespmem:s28+$0x17300];
	v3 =	vand.u32 $0x7FFFFFFF, v7;
	(erf) = vpow2.f32 v5  }
0x112: {  	v20 =	vld [tilespmem:s28+$0x17500];
	v3 =	vsub.f32 $0.0e+00, v3  }
0x113: {  	v21 =	vld [tilespmem:s28+$0x17280]  }
0x114: {  	v22 =	vld [tilespmem:s28+$0x17480];
	v3 =	vmul.f32 $1.442695020e+00, v3  }
0x115: {  	v23 =	vld [tilespmem:s28+$0x17200]  }
0x116: {  	s24 =	simm.s32 $0x10;
	v24 =	vld [tilespmem:s28+$0x17400];
	(erf) = vpow2.f32 v3  }
0x117: {  	v4 =	vld [tilespmem:s24+$0x17100]  }
0x118: {  	v5 =	vld [tilespmem:s24+$0x17080];
	v11 =	vpop (erf)  }
0x119: {  	v3 =	vld [tilespmem:s24+$0x17180];
	v13 =	vpop (erf)  }
0x11a: {  	v12 =	vmax.f32 v8, $0.0e+00;
	v16 =	vpop (erf)  }
0x11b: {  	v17 =	vadd.f32 v18, v17;
	v20 =	vadd.f32 v20, v19;
	v18 =	vmul.f32 $1.011908330e-02, v16  }
0x11c: {  	v6 =	vld [tilespmem:s24+$0x17000];
	vm0 =	vgt.f32 v14, $0.0e+00;
	v25 =	vadd.f32 v24, v23;
	v21 =	vadd.f32 v22, v21  }
0x11d: {  	v22 =	vand.u32 $0x7FFFFFFF, v4;
	v27 =	vand.u32 $0x7FFFFFFF, v5;
	v23 =	vadd.f32 $-5.262485150e-02, v18  }
0x11e: {  	v29 =	vld [tilespmem:s28+$0x17780];
	v32 =	vsub.f32 $0.0e+00, v27;
	v19 =	vand.u32 $0x7FFFFFFF, v3;
	v24 =	vmul.f32 $1.011908330e-02, v13  }
0x11f: {  	v27 =	vsub.f32 $0.0e+00, v22;
	v28 =	vsub.f32 $0.0e+00, v19;
	v18 =	vpop (erf);
	v19 =	vmul.f32 v23, v16  }
0x120: {  	v22 =	vmul.f32 $1.011908330e-02, v11;
	v23 =	vadd.f32 $-5.262485150e-02, v24;
	v24 =	vld [tilespmem:s28+$0x17700];
	v30 =	vmul.f32 $1.011908330e-02, v18  }
0x121: {  	v14 =	vmax.f32 v7, $0.0e+00;
	v26 =	vand.u32 $0x7FFFFFFF, v6;
	v31 =	vadd.f32 $1.307650360e-01, v19  }
0x122: {  	v33 =	vld [tilespmem:s28+$0x17680];
	v34 =	vadd.f32 $-5.262485150e-02, v22;
	v23 =	vmul.f32 v23, v13;
	v30 =	vadd.f32 $-5.262485150e-02, v30  }
0x123: {  	v26 =	vsub.f32 $0.0e+00, v26;
	v22 =	vadd.f32 v29, v17;
	v31 =	vmul.f32 v31, v16  }
0x124: {  	v35 =	vld [tilespmem:s28+$0x17600];
	v17 =	vmul.f32 v34, v11;
	v36 =	vadd.f32 $1.307650360e-01, v23;
	v30 =	vmul.f32 v30, v18  }
0x125: {  	v15 =	vmax.f32 v9, $0.0e+00;
	v23 =	vadd.f32 v24, v20;
	v20 =	vadd.f32 $-2.228362560e-01, v31  }
0x126: {  	v29 =	vmul.f32 v36, v13;
	v31 =	vadd.f32 $1.307650360e-01, v17;
	v30 =	vadd.f32 $1.307650360e-01, v30  }
0x127: {  	v21 =	vadd.f32 v33, v21;
	v24 =	vmul.f32 $1.442695020e+00, v28;
	v28 =	vld [tilespmem:s28+$0x17980];
	v61 =	vmul.f32 v20, v16  }
0x128: {  	v29 =	vadd.f32 $-2.228362560e-01, v29;
	v62 =	vmul.f32 v31, v11;
	v31 =	vld [tilespmem:s28+$0x17900];
	v30 =	vmul.f32 v30, v18  }
0x129: {  	v25 =	vadd.f32 v35, v25;
	v26 =	vmul.f32 $1.442695020e+00, v26;
	v20 =	vmul.f32 $1.442695020e+00, v27  }
0x12a: {  	v27 =	vld [tilespmem:s28+$0x17880];
	v33 =	vadd.f32 $3.269731100e-01, v61;
	v63 =	vmul.f32 v29, v13;
	v37 =	vadd.f32 $-2.228362560e-01, v30  }
0x12b: {  	v19 =	vmax.f32 v10, $0.0e+00;
	v17 =	vld [tilespmem:$0x17A00];
	v29 =	vmul.f32 $1.442695020e+00, v32;
	v32 =	vadd.f32 $-2.228362560e-01, v62  }
0x12c: {  	s26 =	simm.s32 $0x80;
	v30 =	vld [tilespmem:s28+$0x17800];
	v35 =	vmul.f32 v33, v16;
	v33 =	vadd.f32 $3.269731100e-01, v63;
	v34 =	vmul.f32 v37, v18  }
.LBB2_5:
0x12d: {  	p1 =	sne.s32 s26, $0xC0;
	v23 =	vadd.f32 v31, v23;
	v22 =	vadd.f32 v28, v22;
	v28 =	vmul.f32 v32, v11  }
0x12e: {  	v31 =	vadd.f32 $-4.992065730e-01, v35;
	v32 =	vmul.f32 v33, v13;
	v33 =	vadd.f32 $3.269731100e-01, v34  }
0x12f: {  	v21 =	vadd.f32 v27, v21;
	(erf) = vpow2.f32 v24;
	v24 =	vadd.f32 $3.269731100e-01, v28  }
0x130: {  	v27 =	vmul.f32 v31, v16;
	v28 =	vadd.f32 $-4.992065730e-01, v32;
	v31 =	vmul.f32 v33, v18  }
0x131: {  	v25 =	vadd.f32 v30, v25;
	(erf) = vpow2.f32 v29;
	v24 =	vmul.f32 v24, v11  }
0x132: {  	v27 =	vadd.f32 $9.999575010e-01, v27;
	v28 =	vmul.f32 v28, v13;
	v29 =	vadd.f32 $-4.992065730e-01, v31  }
0x133: {  	v25 =	vmul.f32 v25, v10;
	v10 =	vmovc v6;
	v30 =	vld [tilespmem:s24+$0x16F80];
	(erf) = vpow2.f32 v26;
	v24 =	vadd.f32 $-4.992065730e-01, v24  }
0x134: {  	v6 =	vmul.f32 v27, v16;
	v16 =	vadd.f32 $9.999575010e-01, v28;
	v27 =	vmul.f32 v29, v18;
	v26 =	vld [tilespmem:s24+$0x17380]  }
0x135: {  	v21 =	vmul.f32 v21, v9;
	v9 =	vmovc v5;
	v19 =	vsub.f32 v19, v25;
	v28 =	vld [tilespmem:s24+$0x17580];
	v24 =	vmul.f32 v24, v11  }
0x136: {  	v5 =	vadd.f32 $5.621959080e-07, v6;
	v6 =	vmul.f32 v16, v13;
	v13 =	vadd.f32 $9.999575010e-01, v27;
	v25 =	vld [tilespmem:s24+$0x17300]  }
0x137: {  	v15 =	vsub.f32 v15, v21;
	v16 =	vmul.f32 v23, v7;
	v7 =	vmovc v4;
	v27 =	vld [tilespmem:s24+$0x17500];
	v21 =	vadd.f32 $9.999575010e-01, v24  }
0x138: {  	v5 =	vadd.f32 v5, v19;
	v6 =	vadd.f32 $5.621959080e-07, v6;
	v18 =	vmul.f32 v13, v18;
	v23 =	vld [tilespmem:s24+$0x17280];
	v4 =	vpop (erf)  }
0x139: {  	v14 =	vsub.f32 v14, v16;
	v24 =	vmul.f32 v22, v8;
	v19 =	vld [tilespmem:s24+$0x17480];
	v21 =	vmul.f32 v21, v11;
	v11 =	vmovc v4  }
0x13a: {  	v4 =	vnsel vm0, $0x0, v5;
	v5 =	vadd.f32 v6, v15;
	v6 =	vadd.f32 $5.621959080e-07, v18;
	v22 =	vld [tilespmem:s24+$0x17200];
	v13 =	vpop (erf)  }
0x13b: {  	s28 =	sshra.s32 s26, $0x2;
	v8 =	vmovc v3;
	v15 =	vadd.f32 v4, v17;
	v17 =	vsub.f32 v12, v24;
	v18 =	vld [tilespmem:s24+$0x17400];
	(erf) = vpow2.f32 v20  }
0x13c: {  	v5 =	vnsel vm0, $0x0, v5;
	v6 =	vadd.f32 v6, v14;
	v14 =	vadd.f32 $5.621959080e-07, v21;
	v3 =	vld [tilespmem:s28+$0x17180];
	v16 =	vpop (erf)  }
0x13d: {  	vm1 =	vmmov vm0;
	v15 =	vadd.f32 v5, v15;
	v4 =	vld [tilespmem:s28+$0x17100]  }
0x13e: {  	v12 =	vmax.f32 v8, $0.0e+00;
	v20 =	vnsel vm1, $0x0, v6;
	v17 =	vadd.f32 v14, v17;
	v5 =	vld [tilespmem:s28+$0x17080]  }
0x13f: {  	vm0 =	vgt.f32 v30, $0.0e+00;
	v14 =	vmax.f32 v7, $0.0e+00;
	v20 =	vadd.f32 v20, v15;
	v6 =	vld [tilespmem:s28+$0x17000]  }
0x140: {  	v21 =	vadd.f32 v28, v26;
	v15 =	vmax.f32 v9, $0.0e+00;
	v17 =	vnsel vm1, $0x0, v17  }
0x141: {  	v25 =	vadd.f32 v27, v25;
	v24 =	vmul.f32 $1.011908330e-02, v16;
	v17 =	vadd.f32 v17, v20  }
0x142: {  	v27 =	vadd.f32 v19, v23;
	v26 =	vadd.f32 v18, v22;
	v20 =	vand.u32 $0x7FFFFFFF, v3  }
0x143: {  	v23 =	vmul.f32 $1.011908330e-02, v13;
	v22 =	vadd.f32 $-5.262485150e-02, v24;
	v19 =	vand.u32 $0x7FFFFFFF, v4  }
0x144: {  	v20 =	vsub.f32 $0.0e+00, v20;
	v28 =	vand.u32 $0x7FFFFFFF, v5;
	v24 =	vand.u32 $0x7FFFFFFF, v6;
	v29 =	vld [tilespmem:s24+$0x17780];
	v18 =	vpop (erf)  }
0x145: {  	v23 =	vadd.f32 $-5.262485150e-02, v23;
	v22 =	vmul.f32 v22, v16;
	v30 =	vld [tilespmem:s24+$0x17700];
	v31 =	vmul.f32 $1.011908330e-02, v18  }
0x146: {  	v33 =	vsub.f32 $0.0e+00, v19;
	v32 =	vsub.f32 $0.0e+00, v28;
	v28 =	vmul.f32 $1.011908330e-02, v11  }
0x147: {  	v23 =	vmul.f32 v23, v13;
	v22 =	vadd.f32 $1.307650360e-01, v22;
	v34 =	vld [tilespmem:s24+$0x17680];
	v31 =	vadd.f32 $-5.262485150e-02, v31  }
0x148: {  	v19 =	vmax.f32 v10, $0.0e+00;
	v35 =	vsub.f32 $0.0e+00, v24;
	v24 =	vadd.f32 $-5.262485150e-02, v28  }
0x149: {  	v37 =	vadd.f32 $1.307650360e-01, v23;
	v28 =	vmul.f32 v22, v16;
	v36 =	vld [tilespmem:s24+$0x17600];
	v31 =	vmul.f32 v31, v18  }
0x14a: {  	v22 =	vadd.f32 v29, v21;
	v23 =	vadd.f32 v30, v25;
	v25 =	vmul.f32 v24, v11  }
0x14b: {  	v29 =	vadd.f32 $-2.228362560e-01, v28;
	v30 =	vmul.f32 v37, v13;
	v37 =	vadd.f32 $1.307650360e-01, v31  }
0x14c: {  	v24 =	vmul.f32 $1.442695020e+00, v20;
	v21 =	vadd.f32 v34, v27;
	v28 =	vld [tilespmem:s24+$0x17980];
	v27 =	vadd.f32 $1.307650360e-01, v25  }
.Ltmp4:
0x14d: {  	v29 =	vmul.f32 v29, v16;
	v30 =	vadd.f32 $-2.228362560e-01, v30;
	v31 =	vld [tilespmem:s24+$0x17900];
	v34 =	vmul.f32 v37, v18;
	(pc) =	sbr.rel @p1 .LBB2_5-.Ltmp4, $4  }
0x14e: {  	v20 =	vmul.f32 $1.442695020e+00, v33;
	v25 =	vadd.f32 v36, v26;
	v33 =	vmul.f32 v27, v11  }
0x14f: {  	v36 =	vadd.f32 $3.269731100e-01, v29;
	v37 =	vmul.f32 v30, v13;
	v27 =	vld [tilespmem:s24+$0x17880];
	v34 =	vadd.f32 $-2.228362560e-01, v34  }
0x150: {  	v26 =	vmul.f32 $1.442695020e+00, v35;
	v29 =	vmul.f32 $1.442695020e+00, v32;
	v32 =	vadd.f32 $-2.228362560e-01, v33  }
0x151: {  	s26 =	sadd.s32 $0x40, s26;
	v35 =	vmul.f32 v36, v16;
	v33 =	vadd.f32 $3.269731100e-01, v37;
	v30 =	vld [tilespmem:s24+$0x17800];
	v34 =	vmul.f32 v34, v18;
	s24 =	smov.u32 s28  }
.Ltmp5:
0x152: {  	_ = 	snop;
	(pc) =	sbr.rel .LBB2_6-.Ltmp5, $1  }
0x153: {  	_ =	sdelay $0x3  }
.LBB2_8:
0x154: {  	_ =	sfence.sel $0x180000  }
0x155: {  	[bflag:$0x0] =	sbarrier.arrive $0xFFFF  }
0x156: {  	_ =	strace $0x90000047  }
0x157: {  	s0 =	stileid.u32;
	[bflag:$0x2] =	sbarrier.arrive $0xFFFF  }
0x158: {  	p0 =	sne.s32 s0, $0x0;
	s0 =	rddreg [dreg:$0x3]  }
0x159: {  	s0 =	sadd.s32 @!p0 $0x100000, s0  }
0x15a: {  	[sflag:s0] =	ssyncadd.tile.s32 @!p0 $0x1;
	_ =	shalt  }
.Lfunc_end2:
_tile_overlayer_lowered:
.L_overlay_start_2:
0x15b: {  	(tag) =	ssettag $0x2  }
0x15c: {  	s0 =	rddreg [dreg:$0x0];
	s2 =	stileid.u32  }
0x15d: {  	s1 =	rddreg [dreg:$0x1];
	p0 =	sne.s32 s2, $0x0  }
0x15e: {  	s3 =	rddreg [dreg:$0x2];
	[bflag:$0x3] =	sbarrier.arrive $0xFFFF;
	s2 =	simm.s32 @!p0 $0x1C02  }
0x15f: {  	[timem:s3], [sflag:s2] =	dma.local @!p0 [hbm:s0], s1  }
0x160: {  	s0 =	simm.s32 @!p0 $0x2  }
0x161: {  	_ =	swait.ge @!p0 [sflag:s0], s1  }
0x162: {  	s1 =	ssub.s32 @!p0 $0x0, s1;
	[sflag:s0] =	ssyncset.done @!p0 $0x0  }
0x163: {  	[sflag:s0] =	ssyncadd.s32 @!p0 s1  }
0x164: {  	[bflag:$0x3] =	sbarrier.arrive $0xFFFF  }
0x165: {  	_ =	shalt  }

</sc_bundles>
